<compile_context>
chip_gen: v7x
topology: tpu7x:2x2x1
jax: 0.10.2.dev20260603
libtpu: 0.0.44.dev20260713+nightly
codegen_flags: <defaults>
</compile_context>

<pallas_src>
import functools

import jax
import jax.numpy as jnp
from jax import lax
from jax.experimental import pallas as pl
from jax.experimental.pallas import tpu as pltpu
from jax.experimental.pallas import tpu_sc as plsc

N_P = 10000
D = 128
E = 320000

NC = 2
NS = 16
NW = NC * NS
CHUNK = 128
N_CHUNKS = -(-E // CHUNK // NW) * NW
E_PAD = N_CHUNKS * CHUNK
ITERS = N_CHUNKS // NW
N_REAL = -(-E // CHUNK)
ROWS_PAD = 10240
ROWS_PER_TILE = ROWS_PAD // NS
CNT_PAD = 10240
CNT_PER_TILE = CNT_PAD // NS


def _mesh():
    return plsc.VectorSubcoreMesh(core_axis_name="c", subcore_axis_name="s")


def _sc_scatter_rows(y, src, dst, zrows):
    @functools.partial(
        pl.kernel,
        out_type=jax.ShapeDtypeStruct((NC, ROWS_PAD, D), jnp.float32),
        mesh=_mesh(),
        scratch_types=[
            pltpu.VMEM((CHUNK,), jnp.int32),
            pltpu.VMEM((CHUNK,), jnp.int32),
            pltpu.VMEM((CHUNK,), jnp.int32),
            pltpu.VMEM((CHUNK,), jnp.int32),
            pltpu.VMEM((CHUNK, D), jnp.float32),
            pltpu.VMEM((CHUNK, D), jnp.float32),
            pltpu.VMEM_SHARED((ROWS_PAD, D), jnp.float32),
            pltpu.SemaphoreType.DMA,
            pltpu.SemaphoreType.DMA,
            pltpu.SemaphoreType.DMA,
            pltpu.SemaphoreType.DMA,
            pltpu.SemaphoreType.DMA,
            pltpu.SemaphoreType.DMA,
            pltpu.SemaphoreType.DMA,
            pltpu.SemaphoreType.DMA,
        ],
    )
    def run(y_hbm, src_hbm, dst_hbm, z_hbm, out_hbm,
            src_v0, dst_v0, src_v1, dst_v1, rows_v0, rows_v1, acc_sh,
            es0, ed0, es1, ed1, eg0, eg1, ss0, ss1):
        cid = lax.axis_index("c")
        sid = lax.axis_index("s")
        wid = cid * NS + sid
        r0 = sid * ROWS_PER_TILE
        pltpu.sync_copy(z_hbm, acc_sh.at[pl.ds(r0, ROWS_PER_TILE)])
        plsc.subcore_barrier()

        sets = ((src_v0, dst_v0, rows_v0, es0, ed0, eg0, ss0),
                (src_v1, dst_v1, rows_v1, es1, ed1, eg1, ss1))

        def issue_idx(i, b):
            sv, dv, rv, es, ed, eg, ss = sets[b]
            c = i * NW + wid

            @pl.when(c < N_REAL)
            def _():
                base = c * CHUNK
                pltpu.async_copy(src_hbm.at[pl.ds(base, CHUNK)], sv, es)
                pltpu.async_copy(dst_hbm.at[pl.ds(base, CHUNK)], dv, ed)

        def issue_gather(i, b):
            sv, dv, rv, es, ed, eg, ss = sets[b]
            c = i * NW + wid

            @pl.when(c < N_REAL)
            def _():
                base = c * CHUNK
                pltpu.make_async_copy(src_hbm.at[pl.ds(base, CHUNK)], sv, es).wait()
                pltpu.make_async_copy(dst_hbm.at[pl.ds(base, CHUNK)], dv, ed).wait()
                pltpu.async_copy(y_hbm.at[sv], rv, eg)

        def scatter(i, b):
            sv, dv, rv, es, ed, eg, ss = sets[b]
            c = i * NW + wid

            @pl.when(c < N_REAL)
            def _():
                pltpu.make_async_copy(y_hbm.at[sv], rv, eg).wait()
                pltpu.sync_copy(rv, acc_sh.at[dv], add=True)

        issue_idx(0, 0)
        issue_idx(1, 1)
        issue_gather(0, 0)

        @pl.loop(0, ITERS + 1, step=2)
        def _(i):
            issue_gather(i + 1, 1)
            scatter(i, 0)
            issue_idx(i + 2, 0)
            issue_gather(i + 2, 0)
            scatter(i + 1, 1)
            issue_idx(i + 3, 1)

        plsc.subcore_barrier()
        pltpu.sync_copy(acc_sh.at[pl.ds(r0, ROWS_PER_TILE)],
                        out_hbm.at[cid, pl.ds(r0, ROWS_PER_TILE)])

    return run(y, src, dst, zrows)


def _sc_counts_agg(xa, dst_c, src_w, dst_w, zrows, zvec, ones):
    out_types = (
        jax.ShapeDtypeStruct((NC, CNT_PAD), jnp.float32),
        jax.ShapeDtypeStruct((NC, CNT_PAD), jnp.float32),
        jax.ShapeDtypeStruct((NC, ROWS_PAD, D), jnp.float32),
    )

    @functools.partial(
        pl.kernel,
        out_type=out_types,
        mesh=_mesh(),
        scratch_types=[
            pltpu.VMEM((CHUNK,), jnp.int32),
            pltpu.VMEM((CHUNK,), jnp.int32),
            pltpu.VMEM((CHUNK,), jnp.int32),
            pltpu.VMEM((CHUNK,), jnp.int32),
            pltpu.VMEM((CHUNK,), jnp.int32),
            pltpu.VMEM((CHUNK,), jnp.int32),
            pltpu.VMEM((CHUNK, D), jnp.float32),
            pltpu.VMEM((CHUNK, D), jnp.float32),
            pltpu.VMEM((CHUNK,), jnp.float32),
            pltpu.VMEM_SHARED((CNT_PAD,), jnp.float32),
            pltpu.VMEM_SHARED((CNT_PAD,), jnp.float32),
            pltpu.VMEM_SHARED((ROWS_PAD, D), jnp.float32),
            pltpu.SemaphoreType.DMA,
            pltpu.SemaphoreType.DMA,
            pltpu.SemaphoreType.DMA,
            pltpu.SemaphoreType.DMA,
            pltpu.SemaphoreType.DMA,
            pltpu.SemaphoreType.DMA,
            pltpu.SemaphoreType.DMA,
            pltpu.SemaphoreType.DMA,
        ],
    )
    def run(xa_hbm, dstc_hbm, srcw_hbm, dstw_hbm, z_hbm, zv_hbm, ones_hbm,
            odeg_hbm, ocnt_hbm, oagg_hbm,
            dca0, swv0, dwv0, dca1, swv1, dwv1, rows_v0, rows_v1, ones_v,
            acc_deg, acc_cnt, acc_agg,
            ea0, eb0, ec0, ea1, eb1, ec1, eg0, eg1):
        cid = lax.axis_index("c")
        sid = lax.axis_index("s")
        wid = cid * NS + sid
        r0 = sid * ROWS_PER_TILE
        c0 = sid * CNT_PER_TILE
        pltpu.sync_copy(ones_hbm, ones_v)
        pltpu.sync_copy(z_hbm, acc_agg.at[pl.ds(r0, ROWS_PER_TILE)])
        pltpu.sync_copy(zv_hbm, acc_deg.at[pl.ds(c0, CNT_PER_TILE)])
        pltpu.sync_copy(zv_hbm, acc_cnt.at[pl.ds(c0, CNT_PER_TILE)])
        plsc.subcore_barrier()

        sets = ((dca0, swv0, dwv0, rows_v0, ea0, eb0, ec0, eg0),
                (dca1, swv1, dwv1, rows_v1, ea1, eb1, ec1, eg1))

        def issue_idx(i, b):
            dca, swv, dwv, rv, ea, eb, ec, eg = sets[b]
            c = i * NW + wid

            @pl.when(c < N_REAL)
            def _():
                base = c * CHUNK
                pltpu.async_copy(dstc_hbm.at[pl.ds(base, CHUNK)], dca, ea)
                pltpu.async_copy(srcw_hbm.at[pl.ds(base, CHUNK)], swv, eb)
                pltpu.async_copy(dstw_hbm.at[pl.ds(base, CHUNK)], dwv, ec)

        def issue_gather(i, b):
            dca, swv, dwv, rv, ea, eb, ec, eg = sets[b]
            c = i * NW + wid

            @pl.when(c < N_REAL)
            def _():
                base = c * CHUNK
                pltpu.make_async_copy(srcw_hbm.at[pl.ds(base, CHUNK)], swv, eb).wait()
                pltpu.async_copy(xa_hbm.at[swv], rv, eg)

        def deg_scatter(i, b):
            dca, swv, dwv, rv, ea, eb, ec, eg = sets[b]
            c = i * NW + wid

            @pl.when(c < N_REAL)
            def _():
                base = c * CHUNK
                pltpu.make_async_copy(dstc_hbm.at[pl.ds(base, CHUNK)], dca, ea).wait()
                pltpu.sync_copy(ones_v, acc_deg.at[dca], add=True)

        def work(i, b):
            dca, swv, dwv, rv, ea, eb, ec, eg = sets[b]
            c = i * NW + wid

            @pl.when(c < N_REAL)
            def _():
                base = c * CHUNK
                pltpu.make_async_copy(dstw_hbm.at[pl.ds(base, CHUNK)], dwv, ec).wait()
                pltpu.make_async_copy(xa_hbm.at[swv], rv, eg).wait()
                pltpu.sync_copy(rv, acc_agg.at[dwv], add=True)
                pltpu.sync_copy(ones_v, acc_cnt.at[dwv], add=True)

        issue_idx(0, 0)
        issue_idx(1, 1)
        issue_gather(0, 0)

        @pl.loop(0, ITERS + 1, step=2)
        def _(i):
            issue_gather(i + 1, 1)
            deg_scatter(i, 0)
            work(i, 0)
            issue_idx(i + 2, 0)
            issue_gather(i + 2, 0)
            deg_scatter(i + 1, 1)
            work(i + 1, 1)
            issue_idx(i + 3, 1)

        plsc.subcore_barrier()
        pltpu.sync_copy(acc_deg.at[pl.ds(c0, CNT_PER_TILE)],
                        odeg_hbm.at[cid, pl.ds(c0, CNT_PER_TILE)])
        pltpu.sync_copy(acc_cnt.at[pl.ds(c0, CNT_PER_TILE)],
                        ocnt_hbm.at[cid, pl.ds(c0, CNT_PER_TILE)])
        pltpu.sync_copy(acc_agg.at[pl.ds(r0, ROWS_PER_TILE)],
                        oagg_hbm.at[cid, pl.ds(r0, ROWS_PER_TILE)])

    return run(xa, dst_c, src_w, dst_w, zrows, zvec, ones)


R_BLK = 2000


def _row(i):
    return (i, 0)


def _zero(i):
    return (0, 0)


def _rspec():
    return pl.BlockSpec((R_BLK, D), _row)


def _cspec():
    return pl.BlockSpec((R_BLK, 1), _row)


def _wspec():
    return pl.BlockSpec((D, D), _zero)


def _bspec():
    return pl.BlockSpec((1, D), _zero)


def _tc_y1_body(x_ref, w_ref, d0_ref, d1_ref, o_ref):
    dis = lax.rsqrt(d0_ref[...] + d1_ref[...] + 1.0)
    o_ref[...] = jnp.dot(x_ref[...], w_ref[...],
                         preferred_element_type=jnp.float32) * dis


def _tc_y1(x, W, d0, d1):
    return pl.pallas_call(
        _tc_y1_body,
        grid=(N_P // R_BLK,),
        in_specs=[_rspec(), _wspec(), _cspec(), _cspec()],
        out_specs=_rspec(),
        out_shape=jax.ShapeDtypeStruct((N_P, D), jnp.float32),
    )(x, W, d0, d1)


def _pspec(core):
    return pl.BlockSpec((1, R_BLK, D), lambda i, c=core: (c, i, 0))


def _tc_mid_body(s10_ref, s11_ref, y1_ref, d0_ref, d1_ref, a0_ref, a1_ref,
                 c0_ref, c1_ref, x_ref, wl_ref, wr_ref, wg2_ref, bg1_ref,
                 bs1_ref, y2_ref):
    dis = lax.rsqrt(d0_ref[...] + d1_ref[...] + 1.0)
    gcn1 = (s10_ref[0] + s11_ref[0] + y1_ref[...]) * dis + bg1_ref[...]
    mean = (a0_ref[0] + a1_ref[0]) / jnp.maximum(c0_ref[...] + c1_ref[...], 1.0)
    sage = (jnp.dot(mean, wl_ref[...], preferred_element_type=jnp.float32)
            + jnp.dot(x_ref[...], wr_ref[...], preferred_element_type=jnp.float32)
            + bs1_ref[...])
    h = jnp.maximum(gcn1 + sage, 0.0)
    y2_ref[...] = jnp.dot(h, wg2_ref[...],
                          preferred_element_type=jnp.float32) * dis


def _tc_mid(s1_p, y1, d0, d1, agg_p, c0, c1, x, wl, wr, wg2, bg1, bs1):
    return pl.pallas_call(
        _tc_mid_body,
        grid=(N_P // R_BLK,),
        in_specs=[_pspec(0), _pspec(1), _rspec(), _cspec(), _cspec(),
                  _pspec(0), _pspec(1), _cspec(), _cspec(), _rspec(),
                  _wspec(), _wspec(), _wspec(), _bspec(), _bspec()],
        out_specs=_rspec(),
        out_shape=jax.ShapeDtypeStruct((N_P, D), jnp.float32),
    )(s1_p, s1_p, y1, d0, d1, agg_p, agg_p, c0, c1, x, wl, wr, wg2, bg1, bs1)


def _tc_out_body(s20_ref, s21_ref, y2_ref, d0_ref, d1_ref, lw_ref, bg2_ref,
                 lb_ref, o_ref):
    dis = lax.rsqrt(d0_ref[...] + d1_ref[...] + 1.0)
    h2 = jnp.maximum((s20_ref[0] + s21_ref[0] + y2_ref[...]) * dis
                     + bg2_ref[...], 0.0)
    o_ref[...] = jnp.dot(h2, lw_ref[...],
                         preferred_element_type=jnp.float32) + lb_ref[...]


def _tc_out(s2_p, y2, d0, d1, lw, bg2, lb):
    return pl.pallas_call(
        _tc_out_body,
        grid=(N_P // R_BLK,),
        in_specs=[_pspec(0), _pspec(1), _rspec(), _cspec(), _cspec(),
                  _wspec(), _bspec(), _bspec()],
        out_specs=_rspec(),
        out_shape=jax.ShapeDtypeStruct((N_P, D), jnp.float32),
    )(s2_p, s2_p, y2, d0, d1, lw, bg2, lb)


def kernel(x_paper, x_author, edge_index_cites, edge_index_writes,
           W_gcn1, b_gcn1, Wl1, Wr1, b_s1, W_gcn2, b_gcn2, lin_W, lin_b):
    src_c = edge_index_cites[0]
    dst_c = edge_index_cites[1]
    src_w = edge_index_writes[0]
    dst_w = edge_index_writes[1]

    zrows = jnp.zeros((ROWS_PER_TILE, D), jnp.float32)
    zvec = jnp.zeros((CNT_PER_TILE,), jnp.float32)
    ones = jnp.ones((CHUNK,), jnp.float32)

    deg_p, cnt_p, agg_p = _sc_counts_agg(x_author, dst_c, src_w, dst_w,
                                         zrows, zvec, ones)
    d0 = deg_p[0, :N_P].reshape(N_P, 1)
    d1 = deg_p[1, :N_P].reshape(N_P, 1)
    c0 = cnt_p[0, :N_P].reshape(N_P, 1)
    c1 = cnt_p[1, :N_P].reshape(N_P, 1)

    y1 = _tc_y1(x_paper, W_gcn1, d0, d1)
    s1_p = _sc_scatter_rows(y1, src_c, dst_c, zrows)
    y2 = _tc_mid(s1_p, y1, d0, d1, agg_p, c0, c1,
                 x_paper, Wl1, Wr1, W_gcn2,
                 b_gcn1.reshape(1, D), b_s1.reshape(1, D))
    s2_p = _sc_scatter_rows(y2, src_c, dst_c, zrows)
    return _tc_out(s2_p, y2, d0, d1, lin_W,
                   b_gcn2.reshape(1, D), lin_b.reshape(1, D))

# --- scband reference (transcript-rebuilt; emitter-appended) ---
"""Pipeline reference for scband-hetero-gnn-23321672417703 (READ-ONLY COPY).

The authoritative reference and input builder live on the scoring server;
editing this copy changes nothing except your own understanding.
"""

import jax, jax.numpy as jnp
import numpy as np

N_P = 10000
N_A = 10000
D = 128
HID = 128
OUT = 128
E_C = 320000
E_W = 320000


def setup_inputs(seed: int = 0) -> dict:
    key = jax.random.key(seed)
    ks = jax.random.split(key, 14)
    s = 0.05
    return {
        "x_paper": jax.random.normal(ks[0], (N_P, D), dtype=jnp.float32),
        "x_author": jax.random.normal(ks[1], (N_A, D), dtype=jnp.float32),
        "edge_index_cites": jax.random.randint(ks[2], (2, E_C), 0, N_P, dtype=jnp.int32),
        "edge_index_writes": jnp.stack([
            jax.random.randint(ks[3], (E_W,), 0, N_A, dtype=jnp.int32),
            jax.random.randint(ks[4], (E_W,), 0, N_P, dtype=jnp.int32),
        ]),
        "W_gcn1": jax.random.normal(ks[5], (D, HID), dtype=jnp.float32) * s,
        "b_gcn1": jnp.zeros((HID,), jnp.float32),
        "Wl1": jax.random.normal(ks[6], (D, HID), dtype=jnp.float32) * s,
        "Wr1": jax.random.normal(ks[7], (D, HID), dtype=jnp.float32) * s,
        "b_s1": jnp.zeros((HID,), jnp.float32),
        "W_gcn2": jax.random.normal(ks[8], (HID, HID), dtype=jnp.float32) * s,
        "b_gcn2": jnp.zeros((HID,), jnp.float32),
        "lin_W": jax.random.normal(ks[9], (HID, OUT), dtype=jnp.float32) * s,
        "lin_b": jnp.zeros((OUT,), jnp.float32),
    }


def _gcn(x, ei, W, b, n):
    # GCNConv with add_self_loops=True and symmetric normalization
    loops = jnp.arange(n, dtype=ei.dtype)
    src = jnp.concatenate([ei[0], loops])
    dst = jnp.concatenate([ei[1], loops])
    deg = jnp.zeros((n,), jnp.float32).at[dst].add(1.0)
    dis = jax.lax.rsqrt(jnp.maximum(deg, 1.0))
    xw = x @ W
    msg = xw[src] * (dis[src] * dis[dst])[:, None]
    out = jnp.zeros((n, xw.shape[1]), jnp.float32).at[dst].add(msg)
    return out + b


def _sage(x_src, x_dst, ei, Wl, Wr, b):
    # bipartite SAGEConv with mean aggregation + root weight
    src, dst = ei[0], ei[1]
    n = x_dst.shape[0]
    agg = jnp.zeros((n, x_src.shape[1]), jnp.float32).at[dst].add(x_src[src])
    cnt = jnp.zeros((n,), jnp.float32).at[dst].add(1.0)
    mean = agg / jnp.maximum(cnt, 1.0)[:, None]
    return mean @ Wl + x_dst @ Wr + b


def reference(x_paper, x_author, edge_index_cites, edge_index_writes,
              W_gcn1, b_gcn1, Wl1, Wr1, b_s1, W_gcn2, b_gcn2, lin_W, lin_b):
    # Layer 1: HeteroConv aggr='sum' over both relations targeting 'paper'
    h = _gcn(x_paper, edge_index_cites, W_gcn1, b_gcn1, N_P) \
        + _sage(x_author, x_paper, edge_index_writes, Wl1, Wr1, b_s1)
    h = jax.nn.relu(h)
    # Layer 2: 'author' produced no output in layer 1 (no relation targets it),
    # so PyG HeteroConv skips ('author','writes','paper'); only GCN runs.
    h = jax.nn.relu(_gcn(h, edge_index_cites, W_gcn2, b_gcn2, N_P))
    return h @ lin_W + lin_b

if __name__ == "__main__":
    import jax
    _d = setup_inputs()
    print(jax.jit(kernel)(*tuple(_d.values())))

</pallas_src>

<mosaic_0001>
#map = affine_map<(d0, d1) -> (0, 0)>
#map1 = affine_map<(d0, d1) -> (0)>
#map2 = affine_map<(d0, d1) -> (0, 0, 0)>
module attributes {stable_mosaic.version = 14 : i64} {
  func.func @run(%arg0: i32, %arg1: i32, %arg2: memref<10000x128xf32, #tpu.memory_space<hbm>>, %arg3: memref<320000xi32, #tpu.memory_space<hbm>>, %arg4: memref<320000xi32, #tpu.memory_space<hbm>>, %arg5: memref<320000xi32, #tpu.memory_space<hbm>>, %arg6: memref<640x128xf32, #tpu.memory_space<hbm>>, %arg7: memref<640xf32, #tpu.memory_space<hbm>>, %arg8: memref<128xf32, #tpu.memory_space<hbm>>, %arg9: memref<2x10240xf32, #tpu.memory_space<hbm>>, %arg10: memref<2x10240xf32, #tpu.memory_space<hbm>>, %arg11: memref<2x10240x128xf32, #tpu.memory_space<hbm>>, %arg12: memref<128xi32, #tpu.memory_space<vmem>>, %arg13: memref<128xi32, #tpu.memory_space<vmem>>, %arg14: memref<128xi32, #tpu.memory_space<vmem>>, %arg15: memref<128xi32, #tpu.memory_space<vmem>>, %arg16: memref<128xi32, #tpu.memory_space<vmem>>, %arg17: memref<128xi32, #tpu.memory_space<vmem>>, %arg18: memref<128x128xf32, #tpu.memory_space<vmem>>, %arg19: memref<128x128xf32, #tpu.memory_space<vmem>>, %arg20: memref<128xf32, #tpu.memory_space<vmem>>, %arg21: memref<10240xf32, #tpu.memory_space<vmem_shared>>, %arg22: memref<10240xf32, #tpu.memory_space<vmem_shared>>, %arg23: memref<10240x128xf32, #tpu.memory_space<vmem_shared>>, %arg24: memref<!tpu.dma_semaphore, #tpu.memory_space<semaphore_mem>>, %arg25: memref<!tpu.dma_semaphore, #tpu.memory_space<semaphore_mem>>, %arg26: memref<!tpu.dma_semaphore, #tpu.memory_space<semaphore_mem>>, %arg27: memref<!tpu.dma_semaphore, #tpu.memory_space<semaphore_mem>>, %arg28: memref<!tpu.dma_semaphore, #tpu.memory_space<semaphore_mem>>, %arg29: memref<!tpu.dma_semaphore, #tpu.memory_space<semaphore_mem>>, %arg30: memref<!tpu.dma_semaphore, #tpu.memory_space<semaphore_mem>>, %arg31: memref<!tpu.dma_semaphore, #tpu.memory_space<semaphore_mem>>) attributes {dimension_semantics = [#tpu.dimension_semantics<core_parallel>, #tpu.dimension_semantics<subcore_parallel>], iteration_bounds = array<i64: 2, 16>, scalar_prefetch = 0 : i64, scratch_operands = 20 : i64, tpu.core_type = #tpu.core_type<sc_vector_subcore>, window_params = [{transform_indices = #map}, {transform_indices = #map1}, {transform_indices = #map1}, {transform_indices = #map1}, {transform_indices = #map}, {transform_indices = #map1}, {transform_indices = #map1}, {transform_indices = #map}, {transform_indices = #map}, {transform_indices = #map2}]} {
    %mul3A = arith.constant 16 : i32
    %mul3A_0 = arith.muli %arg0, %mul3A : i32
    %add3A = arith.addi %mul3A_0, %arg1 : i32
    %mul3A_1 = arith.constant 640 : i32
    %mul3A_2 = arith.muli %arg1, %mul3A_1 : i32
    %mul3A_3 = arith.constant 640 : i32
    %mul3A_4 = arith.muli %arg1, %mul3A_3 : i32
    "tpu.region"() ({
      %run_scoped3A = tpu.sem_alloc : memref<!tpu.dma_semaphore, #tpu.memory_space<semaphore_mem>>
      tpu.enqueue_dma source(%arg8 : memref<128xf32, #tpu.memory_space<hbm>>) target(%arg20 : memref<128xf32, #tpu.memory_space<vmem>>) target_semaphore(%run_scoped3A : memref<!tpu.dma_semaphore, #tpu.memory_space<semaphore_mem>>)
      tpu.wait_dma2 semaphore(%run_scoped3A : memref<!tpu.dma_semaphore, #tpu.memory_space<semaphore_mem>>) src(%arg8 : memref<128xf32, #tpu.memory_space<hbm>>) dst(%arg20 : memref<128xf32, #tpu.memory_space<vmem>>)
      tpu.yield
    }) : () -> ()
    "tpu.region"() ({
      %run_scoped3A = tpu.sem_alloc : memref<!tpu.dma_semaphore, #tpu.memory_space<semaphore_mem>>
      %dma_start3A = arith.constant 0 : i32
      %dma_start3A_28 = tpu.memref_slice %arg23[%mul3A_2, %dma_start3A] : memref<10240x128xf32, #tpu.memory_space<vmem_shared>> -> memref<640x128xf32, #tpu.memory_space<vmem_shared>>
      tpu.enqueue_dma source(%arg6 : memref<640x128xf32, #tpu.memory_space<hbm>>) target(%dma_start3A_28 : memref<640x128xf32, #tpu.memory_space<vmem_shared>>) target_semaphore(%run_scoped3A : memref<!tpu.dma_semaphore, #tpu.memory_space<semaphore_mem>>)
      %dma_wait3A = arith.constant 0 : i32
      %dma_wait3A_29 = tpu.memref_slice %arg23[%mul3A_2, %dma_wait3A] : memref<10240x128xf32, #tpu.memory_space<vmem_shared>> -> memref<640x128xf32, #tpu.memory_space<vmem_shared>>
      tpu.wait_dma2 semaphore(%run_scoped3A : memref<!tpu.dma_semaphore, #tpu.memory_space<semaphore_mem>>) src(%arg6 : memref<640x128xf32, #tpu.memory_space<hbm>>) dst(%dma_wait3A_29 : memref<640x128xf32, #tpu.memory_space<vmem_shared>>)
      tpu.yield
    }) : () -> ()
    "tpu.region"() ({
      %run_scoped3A = tpu.sem_alloc : memref<!tpu.dma_semaphore, #tpu.memory_space<semaphore_mem>>
      %dma_start3A = tpu.memref_slice %arg21[%mul3A_4] : memref<10240xf32, #tpu.memory_space<vmem_shared>> -> memref<640xf32, #tpu.memory_space<vmem_shared>>
      tpu.enqueue_dma source(%arg7 : memref<640xf32, #tpu.memory_space<hbm>>) target(%dma_start3A : memref<640xf32, #tpu.memory_space<vmem_shared>>) target_semaphore(%run_scoped3A : memref<!tpu.dma_semaphore, #tpu.memory_space<semaphore_mem>>)
      %dma_wait3A = tpu.memref_slice %arg21[%mul3A_4] : memref<10240xf32, #tpu.memory_space<vmem_shared>> -> memref<640xf32, #tpu.memory_space<vmem_shared>>
      tpu.wait_dma2 semaphore(%run_scoped3A : memref<!tpu.dma_semaphore, #tpu.memory_space<semaphore_mem>>) src(%arg7 : memref<640xf32, #tpu.memory_space<hbm>>) dst(%dma_wait3A : memref<640xf32, #tpu.memory_space<vmem_shared>>)
      tpu.yield
    }) : () -> ()
    "tpu.region"() ({
      %run_scoped3A = tpu.sem_alloc : memref<!tpu.dma_semaphore, #tpu.memory_space<semaphore_mem>>
      %dma_start3A = tpu.memref_slice %arg22[%mul3A_4] : memref<10240xf32, #tpu.memory_space<vmem_shared>> -> memref<640xf32, #tpu.memory_space<vmem_shared>>
      tpu.enqueue_dma source(%arg7 : memref<640xf32, #tpu.memory_space<hbm>>) target(%dma_start3A : memref<640xf32, #tpu.memory_space<vmem_shared>>) target_semaphore(%run_scoped3A : memref<!tpu.dma_semaphore, #tpu.memory_space<semaphore_mem>>)
      %dma_wait3A = tpu.memref_slice %arg22[%mul3A_4] : memref<10240xf32, #tpu.memory_space<vmem_shared>> -> memref<640xf32, #tpu.memory_space<vmem_shared>>
      tpu.wait_dma2 semaphore(%run_scoped3A : memref<!tpu.dma_semaphore, #tpu.memory_space<semaphore_mem>>) src(%arg7 : memref<640xf32, #tpu.memory_space<hbm>>) dst(%dma_wait3A : memref<640xf32, #tpu.memory_space<vmem_shared>>)
      tpu.yield
    }) : () -> ()
    %barrier3A = arith.constant 0 : index
    tpu.barrier barrier_id(%barrier3A)
    %add3A_5 = arith.constant 0 : i32
    %add3A_6 = arith.addi %add3A_5, %add3A : i32
    %lt3A = arith.constant 2500 : i32
    %lt3A_7 = arith.cmpi slt, %add3A_6, %lt3A : i32
    %convert_element_type3A = arith.extui %lt3A_7 : i1 to i32
    %cond3A = arith.constant 0 : i32
    %cond3A_8 = arith.cmpi ne, %convert_element_type3A, %cond3A : i32
    scf.if %cond3A_8 {
      %mul3A_28 = arith.constant 128 : i32
      %mul3A_29 = arith.muli %add3A_6, %mul3A_28 : i32
      %dma_start3A = tpu.memref_slice %arg3[%mul3A_29] : memref<320000xi32, #tpu.memory_space<hbm>> -> memref<128xi32, #tpu.memory_space<hbm>>
      %dma_start3A_30 = tpu.memref_slice %arg3[%mul3A_29] : memref<320000xi32, #tpu.memory_space<hbm>> -> memref<128xi32, #tpu.memory_space<hbm>>
      tpu.enqueue_dma source(%dma_start3A_30 : memref<128xi32, #tpu.memory_space<hbm>>) target(%arg12 : memref<128xi32, #tpu.memory_space<vmem>>) target_semaphore(%arg24 : memref<!tpu.dma_semaphore, #tpu.memory_space<semaphore_mem>>)
      %dma_start3A_31 = tpu.memref_slice %arg4[%mul3A_29] : memref<320000xi32, #tpu.memory_space<hbm>> -> memref<128xi32, #tpu.memory_space<hbm>>
      %dma_start3A_32 = tpu.memref_slice %arg4[%mul3A_29] : memref<320000xi32, #tpu.memory_space<hbm>> -> memref<128xi32, #tpu.memory_space<hbm>>
      tpu.enqueue_dma source(%dma_start3A_32 : memref<128xi32, #tpu.memory_space<hbm>>) target(%arg13 : memref<128xi32, #tpu.memory_space<vmem>>) target_semaphore(%arg25 : memref<!tpu.dma_semaphore, #tpu.memory_space<semaphore_mem>>)
      %dma_start3A_33 = tpu.memref_slice %arg5[%mul3A_29] : memref<320000xi32, #tpu.memory_space<hbm>> -> memref<128xi32, #tpu.memory_space<hbm>>
      %dma_start3A_34 = tpu.memref_slice %arg5[%mul3A_29] : memref<320000xi32, #tpu.memory_space<hbm>> -> memref<128xi32, #tpu.memory_space<hbm>>
      tpu.enqueue_dma source(%dma_start3A_34 : memref<128xi32, #tpu.memory_space<hbm>>) target(%arg14 : memref<128xi32, #tpu.memory_space<vmem>>) target_semaphore(%arg26 : memref<!tpu.dma_semaphore, #tpu.memory_space<semaphore_mem>>)
    } else {
    }
    %add3A_9 = arith.constant 32 : i32
    %add3A_10 = arith.addi %add3A_9, %add3A : i32
    %lt3A_11 = arith.constant 2500 : i32
    %lt3A_12 = arith.cmpi slt, %add3A_10, %lt3A_11 : i32
    %convert_element_type3A_13 = arith.extui %lt3A_12 : i1 to i32
    %cond3A_14 = arith.constant 0 : i32
    %cond3A_15 = arith.cmpi ne, %convert_element_type3A_13, %cond3A_14 : i32
    scf.if %cond3A_15 {
      %mul3A_28 = arith.constant 128 : i32
      %mul3A_29 = arith.muli %add3A_10, %mul3A_28 : i32
      %dma_start3A = tpu.memref_slice %arg3[%mul3A_29] : memref<320000xi32, #tpu.memory_space<hbm>> -> memref<128xi32, #tpu.memory_space<hbm>>
      %dma_start3A_30 = tpu.memref_slice %arg3[%mul3A_29] : memref<320000xi32, #tpu.memory_space<hbm>> -> memref<128xi32, #tpu.memory_space<hbm>>
      tpu.enqueue_dma source(%dma_start3A_30 : memref<128xi32, #tpu.memory_space<hbm>>) target(%arg15 : memref<128xi32, #tpu.memory_space<vmem>>) target_semaphore(%arg27 : memref<!tpu.dma_semaphore, #tpu.memory_space<semaphore_mem>>)
      %dma_start3A_31 = tpu.memref_slice %arg4[%mul3A_29] : memref<320000xi32, #tpu.memory_space<hbm>> -> memref<128xi32, #tpu.memory_space<hbm>>
      %dma_start3A_32 = tpu.memref_slice %arg4[%mul3A_29] : memref<320000xi32, #tpu.memory_space<hbm>> -> memref<128xi32, #tpu.memory_space<hbm>>
      tpu.enqueue_dma source(%dma_start3A_32 : memref<128xi32, #tpu.memory_space<hbm>>) target(%arg16 : memref<128xi32, #tpu.memory_space<vmem>>) target_semaphore(%arg28 : memref<!tpu.dma_semaphore, #tpu.memory_space<semaphore_mem>>)
      %dma_start3A_33 = tpu.memref_slice %arg5[%mul3A_29] : memref<320000xi32, #tpu.memory_space<hbm>> -> memref<128xi32, #tpu.memory_space<hbm>>
      %dma_start3A_34 = tpu.memref_slice %arg5[%mul3A_29] : memref<320000xi32, #tpu.memory_space<hbm>> -> memref<128xi32, #tpu.memory_space<hbm>>
      tpu.enqueue_dma source(%dma_start3A_34 : memref<128xi32, #tpu.memory_space<hbm>>) target(%arg17 : memref<128xi32, #tpu.memory_space<vmem>>) target_semaphore(%arg29 : memref<!tpu.dma_semaphore, #tpu.memory_space<semaphore_mem>>)
    } else {
    }
    %add3A_16 = arith.constant 0 : i32
    %add3A_17 = arith.addi %add3A_16, %add3A : i32
    %lt3A_18 = arith.constant 2500 : i32
    %lt3A_19 = arith.cmpi slt, %add3A_17, %lt3A_18 : i32
    %convert_element_type3A_20 = arith.extui %lt3A_19 : i1 to i32
    %cond3A_21 = arith.constant 0 : i32
    %cond3A_22 = arith.cmpi ne, %convert_element_type3A_20, %cond3A_21 : i32
    scf.if %cond3A_22 {
      %mul3A_28 = arith.constant 128 : i32
      %mul3A_29 = arith.muli %add3A_17, %mul3A_28 : i32
      %dma_wait3A = tpu.memref_slice %arg4[%mul3A_29] : memref<320000xi32, #tpu.memory_space<hbm>> -> memref<128xi32, #tpu.memory_space<hbm>>
      %dma_wait3A_30 = tpu.memref_slice %arg4[%mul3A_29] : memref<320000xi32, #tpu.memory_space<hbm>> -> memref<128xi32, #tpu.memory_space<hbm>>
      tpu.wait_dma2 semaphore(%arg25 : memref<!tpu.dma_semaphore, #tpu.memory_space<semaphore_mem>>) src(%dma_wait3A_30 : memref<128xi32, #tpu.memory_space<hbm>>) dst(%arg13 : memref<128xi32, #tpu.memory_space<vmem>>)
      %dma_start3A = arith.constant 0 : i32
      %dma_start3A_31 = arith.constant 0 : i32
      %dma_start3A_32 = tpu.memref_slice %arg2[%dma_start3A, %dma_start3A_31] : memref<10000x128xf32, #tpu.memory_space<hbm>> -> memref<10000x128xf32, #tpu.memory_space<hbm>>
      tpu.enqueue_indirect_dma source(%dma_start3A_32 : memref<10000x128xf32, #tpu.memory_space<hbm>>) target(%arg18 : memref<128x128xf32, #tpu.memory_space<vmem>>) offsets(%arg13 : memref<128xi32, #tpu.memory_space<vmem>>) semaphore(%arg30 : memref<!tpu.dma_semaphore, #tpu.memory_space<semaphore_mem>>)
    } else {
    }
    %scan3A = arith.constant 0 : i32
    %scan3A_23 = arith.constant 40 : i32
    %scan3A_24 = arith.addi %scan3A, %scan3A_23 : i32
    %scan3A_25 = arith.constant 1 : i32
    scf.for %scan3A_28 = %scan3A to %scan3A_24 step %scan3A_25  : i32 {
      %mul3A_29 = arith.constant 2 : i32
      %mul3A_30 = arith.muli %scan3A_28, %mul3A_29 : i32
      %add3A_31 = arith.constant 0 : i32
      %add3A_32 = arith.addi %add3A_31, %mul3A_30 : i32
      %add3A_33 = arith.constant 1 : i32
      %add3A_34 = arith.addi %add3A_32, %add3A_33 : i32
      %mul3A_35 = arith.constant 32 : i32
      %mul3A_36 = arith.muli %add3A_34, %mul3A_35 : i32
      %add3A_37 = arith.addi %mul3A_36, %add3A : i32
      %lt3A_38 = arith.constant 2500 : i32
      %lt3A_39 = arith.cmpi slt, %add3A_37, %lt3A_38 : i32
      %convert_element_type3A_40 = arith.extui %lt3A_39 : i1 to i32
      %cond3A_41 = arith.constant 0 : i32
      %cond3A_42 = arith.cmpi ne, %convert_element_type3A_40, %cond3A_41 : i32
      scf.if %cond3A_42 {
        %mul3A_109 = arith.constant 128 : i32
        %mul3A_110 = arith.muli %add3A_37, %mul3A_109 : i32
        %dma_wait3A = tpu.memref_slice %arg4[%mul3A_110] : memref<320000xi32, #tpu.memory_space<hbm>> -> memref<128xi32, #tpu.memory_space<hbm>>
        %dma_wait3A_111 = tpu.memref_slice %arg4[%mul3A_110] : memref<320000xi32, #tpu.memory_space<hbm>> -> memref<128xi32, #tpu.memory_space<hbm>>
        tpu.wait_dma2 semaphore(%arg28 : memref<!tpu.dma_semaphore, #tpu.memory_space<semaphore_mem>>) src(%dma_wait3A_111 : memref<128xi32, #tpu.memory_space<hbm>>) dst(%arg16 : memref<128xi32, #tpu.memory_space<vmem>>)
        %dma_start3A = arith.constant 0 : i32
        %dma_start3A_112 = arith.constant 0 : i32
        %dma_start3A_113 = tpu.memref_slice %arg2[%dma_start3A, %dma_start3A_112] : memref<10000x128xf32, #tpu.memory_space<hbm>> -> memref<10000x128xf32, #tpu.memory_space<hbm>>
        tpu.enqueue_indirect_dma source(%dma_start3A_113 : memref<10000x128xf32, #tpu.memory_space<hbm>>) target(%arg19 : memref<128x128xf32, #tpu.memory_space<vmem>>) offsets(%arg16 : memref<128xi32, #tpu.memory_space<vmem>>) semaphore(%arg31 : memref<!tpu.dma_semaphore, #tpu.memory_space<semaphore_mem>>)
      } else {
      }
      %mul3A_43 = arith.constant 32 : i32
      %mul3A_44 = arith.muli %add3A_32, %mul3A_43 : i32
      %add3A_45 = arith.addi %mul3A_44, %add3A : i32
      %lt3A_46 = arith.constant 2500 : i32
      %lt3A_47 = arith.cmpi slt, %add3A_45, %lt3A_46 : i32
      %convert_element_type3A_48 = arith.extui %lt3A_47 : i1 to i32
      %cond3A_49 = arith.constant 0 : i32
      %cond3A_50 = arith.cmpi ne, %convert_element_type3A_48, %cond3A_49 : i32
      scf.if %cond3A_50 {
        %mul3A_109 = arith.constant 128 : i32
        %mul3A_110 = arith.muli %add3A_45, %mul3A_109 : i32
        %dma_wait3A = tpu.memref_slice %arg3[%mul3A_110] : memref<320000xi32, #tpu.memory_space<hbm>> -> memref<128xi32, #tpu.memory_space<hbm>>
        %dma_wait3A_111 = tpu.memref_slice %arg3[%mul3A_110] : memref<320000xi32, #tpu.memory_space<hbm>> -> memref<128xi32, #tpu.memory_space<hbm>>
        tpu.wait_dma2 semaphore(%arg24 : memref<!tpu.dma_semaphore, #tpu.memory_space<semaphore_mem>>) src(%dma_wait3A_111 : memref<128xi32, #tpu.memory_space<hbm>>) dst(%arg12 : memref<128xi32, #tpu.memory_space<vmem>>)
        "tpu.region"() ({
          %run_scoped3A = tpu.sem_alloc : memref<!tpu.dma_semaphore, #tpu.memory_space<semaphore_mem>>
          %dma_start3A = arith.constant 0 : i32
          %dma_start3A_112 = tpu.memref_slice %arg21[%dma_start3A] : memref<10240xf32, #tpu.memory_space<vmem_shared>> -> memref<10240xf32, #tpu.memory_space<vmem_shared>>
          tpu.enqueue_indirect_dma source(%arg20 : memref<128xf32, #tpu.memory_space<vmem>>) target(%dma_start3A_112 : memref<10240xf32, #tpu.memory_space<vmem_shared>>) offsets(%arg12 : memref<128xi32, #tpu.memory_space<vmem>>) semaphore(%run_scoped3A : memref<!tpu.dma_semaphore, #tpu.memory_space<semaphore_mem>>) {add = true}
          %dma_wait3A_113 = arith.constant 0 : i32
          %dma_wait3A_114 = tpu.memref_slice %arg21[%dma_wait3A_113] : memref<10240xf32, #tpu.memory_space<vmem_shared>> -> memref<10240xf32, #tpu.memory_space<vmem_shared>>
          tpu.wait_indirect_dma semaphore(%run_scoped3A : memref<!tpu.dma_semaphore, #tpu.memory_space<semaphore_mem>>) src(%arg20 : memref<128xf32, #tpu.memory_space<vmem>>) dst(%dma_wait3A_114 : memref<10240xf32, #tpu.memory_space<vmem_shared>>)
          tpu.yield
        }) : () -> ()
      } else {
      }
      %mul3A_51 = arith.constant 32 : i32
      %mul3A_52 = arith.muli %add3A_32, %mul3A_51 : i32
      %add3A_53 = arith.addi %mul3A_52, %add3A : i32
      %lt3A_54 = arith.constant 2500 : i32
      %lt3A_55 = arith.cmpi slt, %add3A_53, %lt3A_54 : i32
      %convert_element_type3A_56 = arith.extui %lt3A_55 : i1 to i32
      %cond3A_57 = arith.constant 0 : i32
      %cond3A_58 = arith.cmpi ne, %convert_element_type3A_56, %cond3A_57 : i32
      scf.if %cond3A_58 {
        %mul3A_109 = arith.constant 128 : i32
        %mul3A_110 = arith.muli %add3A_53, %mul3A_109 : i32
        %dma_wait3A = tpu.memref_slice %arg5[%mul3A_110] : memref<320000xi32, #tpu.memory_space<hbm>> -> memref<128xi32, #tpu.memory_space<hbm>>
        %dma_wait3A_111 = tpu.memref_slice %arg5[%mul3A_110] : memref<320000xi32, #tpu.memory_space<hbm>> -> memref<128xi32, #tpu.memory_space<hbm>>
        tpu.wait_dma2 semaphore(%arg26 : memref<!tpu.dma_semaphore, #tpu.memory_space<semaphore_mem>>) src(%dma_wait3A_111 : memref<128xi32, #tpu.memory_space<hbm>>) dst(%arg14 : memref<128xi32, #tpu.memory_space<vmem>>)
        %dma_wait3A_112 = arith.constant 0 : i32
        %dma_wait3A_113 = arith.constant 0 : i32
        %dma_wait3A_114 = tpu.memref_slice %arg2[%dma_wait3A_112, %dma_wait3A_113] : memref<10000x128xf32, #tpu.memory_space<hbm>> -> memref<10000x128xf32, #tpu.memory_space<hbm>>
        tpu.wait_indirect_dma semaphore(%arg30 : memref<!tpu.dma_semaphore, #tpu.memory_space<semaphore_mem>>) src(%dma_wait3A_114 : memref<10000x128xf32, #tpu.memory_space<hbm>>) dst(%arg18 : memref<128x128xf32, #tpu.memory_space<vmem>>)
        "tpu.region"() ({
          %run_scoped3A = tpu.sem_alloc : memref<!tpu.dma_semaphore, #tpu.memory_space<semaphore_mem>>
          %dma_start3A = arith.constant 0 : i32
          %dma_start3A_115 = arith.constant 0 : i32
          %dma_start3A_116 = tpu.memref_slice %arg23[%dma_start3A, %dma_start3A_115] : memref<10240x128xf32, #tpu.memory_space<vmem_shared>> -> memref<10240x128xf32, #tpu.memory_space<vmem_shared>>
          tpu.enqueue_indirect_dma source(%arg18 : memref<128x128xf32, #tpu.memory_space<vmem>>) target(%dma_start3A_116 : memref<10240x128xf32, #tpu.memory_space<vmem_shared>>) offsets(%arg14 : memref<128xi32, #tpu.memory_space<vmem>>) semaphore(%run_scoped3A : memref<!tpu.dma_semaphore, #tpu.memory_space<semaphore_mem>>) {add = true}
          %dma_wait3A_117 = arith.constant 0 : i32
          %dma_wait3A_118 = arith.constant 0 : i32
          %dma_wait3A_119 = tpu.memref_slice %arg23[%dma_wait3A_117, %dma_wait3A_118] : memref<10240x128xf32, #tpu.memory_space<vmem_shared>> -> memref<10240x128xf32, #tpu.memory_space<vmem_shared>>
          tpu.wait_indirect_dma semaphore(%run_scoped3A : memref<!tpu.dma_semaphore, #tpu.memory_space<semaphore_mem>>) src(%arg18 : memref<128x128xf32, #tpu.memory_space<vmem>>) dst(%dma_wait3A_119 : memref<10240x128xf32, #tpu.memory_space<vmem_shared>>)
          tpu.yield
        }) : () -> ()
        "tpu.region"() ({
          %run_scoped3A = tpu.sem_alloc : memref<!tpu.dma_semaphore, #tpu.memory_space<semaphore_mem>>
          %dma_start3A = arith.constant 0 : i32
          %dma_start3A_115 = tpu.memref_slice %arg22[%dma_start3A] : memref<10240xf32, #tpu.memory_space<vmem_shared>> -> memref<10240xf32, #tpu.memory_space<vmem_shared>>
          tpu.enqueue_indirect_dma source(%arg20 : memref<128xf32, #tpu.memory_space<vmem>>) target(%dma_start3A_115 : memref<10240xf32, #tpu.memory_space<vmem_shared>>) offsets(%arg14 : memref<128xi32, #tpu.memory_space<vmem>>) semaphore(%run_scoped3A : memref<!tpu.dma_semaphore, #tpu.memory_space<semaphore_mem>>) {add = true}
          %dma_wait3A_116 = arith.constant 0 : i32
          %dma_wait3A_117 = tpu.memref_slice %arg22[%dma_wait3A_116] : memref<10240xf32, #tpu.memory_space<vmem_shared>> -> memref<10240xf32, #tpu.memory_space<vmem_shared>>
          tpu.wait_indirect_dma semaphore(%run_scoped3A : memref<!tpu.dma_semaphore, #tpu.memory_space<semaphore_mem>>) src(%arg20 : memref<128xf32, #tpu.memory_space<vmem>>) dst(%dma_wait3A_117 : memref<10240xf32, #tpu.memory_space<vmem_shared>>)
          tpu.yield
        }) : () -> ()
      } else {
      }
      %add3A_59 = arith.constant 2 : i32
      %add3A_60 = arith.addi %add3A_32, %add3A_59 : i32
      %mul3A_61 = arith.constant 32 : i32
      %mul3A_62 = arith.muli %add3A_60, %mul3A_61 : i32
      %add3A_63 = arith.addi %mul3A_62, %add3A : i32
      %lt3A_64 = arith.constant 2500 : i32
      %lt3A_65 = arith.cmpi slt, %add3A_63, %lt3A_64 : i32
      %convert_element_type3A_66 = arith.extui %lt3A_65 : i1 to i32
      %cond3A_67 = arith.constant 0 : i32
      %cond3A_68 = arith.cmpi ne, %convert_element_type3A_66, %cond3A_67 : i32
      scf.if %cond3A_68 {
        %mul3A_109 = arith.constant 128 : i32
        %mul3A_110 = arith.muli %add3A_63, %mul3A_109 : i32
        %dma_start3A = tpu.memref_slice %arg3[%mul3A_110] : memref<320000xi32, #tpu.memory_space<hbm>> -> memref<128xi32, #tpu.memory_space<hbm>>
        %dma_start3A_111 = tpu.memref_slice %arg3[%mul3A_110] : memref<320000xi32, #tpu.memory_space<hbm>> -> memref<128xi32, #tpu.memory_space<hbm>>
        tpu.enqueue_dma source(%dma_start3A_111 : memref<128xi32, #tpu.memory_space<hbm>>) target(%arg12 : memref<128xi32, #tpu.memory_space<vmem>>) target_semaphore(%arg24 : memref<!tpu.dma_semaphore, #tpu.memory_space<semaphore_mem>>)
        %dma_start3A_112 = tpu.memref_slice %arg4[%mul3A_110] : memref<320000xi32, #tpu.memory_space<hbm>> -> memref<128xi32, #tpu.memory_space<hbm>>
        %dma_start3A_113 = tpu.memref_slice %arg4[%mul3A_110] : memref<320000xi32, #tpu.memory_space<hbm>> -> memref<128xi32, #tpu.memory_space<hbm>>
        tpu.enqueue_dma source(%dma_start3A_113 : memref<128xi32, #tpu.memory_space<hbm>>) target(%arg13 : memref<128xi32, #tpu.memory_space<vmem>>) target_semaphore(%arg25 : memref<!tpu.dma_semaphore, #tpu.memory_space<semaphore_mem>>)
        %dma_start3A_114 = tpu.memref_slice %arg5[%mul3A_110] : memref<320000xi32, #tpu.memory_space<hbm>> -> memref<128xi32, #tpu.memory_space<hbm>>
        %dma_start3A_115 = tpu.memref_slice %arg5[%mul3A_110] : memref<320000xi32, #tpu.memory_space<hbm>> -> memref<128xi32, #tpu.memory_space<hbm>>
        tpu.enqueue_dma source(%dma_start3A_115 : memref<128xi32, #tpu.memory_space<hbm>>) target(%arg14 : memref<128xi32, #tpu.memory_space<vmem>>) target_semaphore(%arg26 : memref<!tpu.dma_semaphore, #tpu.memory_space<semaphore_mem>>)
      } else {
      }
      %add3A_69 = arith.constant 2 : i32
      %add3A_70 = arith.addi %add3A_32, %add3A_69 : i32
      %mul3A_71 = arith.constant 32 : i32
      %mul3A_72 = arith.muli %add3A_70, %mul3A_71 : i32
      %add3A_73 = arith.addi %mul3A_72, %add3A : i32
      %lt3A_74 = arith.constant 2500 : i32
      %lt3A_75 = arith.cmpi slt, %add3A_73, %lt3A_74 : i32
      %convert_element_type3A_76 = arith.extui %lt3A_75 : i1 to i32
      %cond3A_77 = arith.constant 0 : i32
      %cond3A_78 = arith.cmpi ne, %convert_element_type3A_76, %cond3A_77 : i32
      scf.if %cond3A_78 {
        %mul3A_109 = arith.constant 128 : i32
        %mul3A_110 = arith.muli %add3A_73, %mul3A_109 : i32
        %dma_wait3A = tpu.memref_slice %arg4[%mul3A_110] : memref<320000xi32, #tpu.memory_space<hbm>> -> memref<128xi32, #tpu.memory_space<hbm>>
        %dma_wait3A_111 = tpu.memref_slice %arg4[%mul3A_110] : memref<320000xi32, #tpu.memory_space<hbm>> -> memref<128xi32, #tpu.memory_space<hbm>>
        tpu.wait_dma2 semaphore(%arg25 : memref<!tpu.dma_semaphore, #tpu.memory_space<semaphore_mem>>) src(%dma_wait3A_111 : memref<128xi32, #tpu.memory_space<hbm>>) dst(%arg13 : memref<128xi32, #tpu.memory_space<vmem>>)
        %dma_start3A = arith.constant 0 : i32
        %dma_start3A_112 = arith.constant 0 : i32
        %dma_start3A_113 = tpu.memref_slice %arg2[%dma_start3A, %dma_start3A_112] : memref<10000x128xf32, #tpu.memory_space<hbm>> -> memref<10000x128xf32, #tpu.memory_space<hbm>>
        tpu.enqueue_indirect_dma source(%dma_start3A_113 : memref<10000x128xf32, #tpu.memory_space<hbm>>) target(%arg18 : memref<128x128xf32, #tpu.memory_space<vmem>>) offsets(%arg13 : memref<128xi32, #tpu.memory_space<vmem>>) semaphore(%arg30 : memref<!tpu.dma_semaphore, #tpu.memory_space<semaphore_mem>>)
      } else {
      }
      %add3A_79 = arith.constant 1 : i32
      %add3A_80 = arith.addi %add3A_32, %add3A_79 : i32
      %mul3A_81 = arith.constant 32 : i32
      %mul3A_82 = arith.muli %add3A_80, %mul3A_81 : i32
      %add3A_83 = arith.addi %mul3A_82, %add3A : i32
      %lt3A_84 = arith.constant 2500 : i32
      %lt3A_85 = arith.cmpi slt, %add3A_83, %lt3A_84 : i32
      %convert_element_type3A_86 = arith.extui %lt3A_85 : i1 to i32
      %cond3A_87 = arith.constant 0 : i32
      %cond3A_88 = arith.cmpi ne, %convert_element_type3A_86, %cond3A_87 : i32
      scf.if %cond3A_88 {
        %mul3A_109 = arith.constant 128 : i32
        %mul3A_110 = arith.muli %add3A_83, %mul3A_109 : i32
        %dma_wait3A = tpu.memref_slice %arg3[%mul3A_110] : memref<320000xi32, #tpu.memory_space<hbm>> -> memref<128xi32, #tpu.memory_space<hbm>>
        %dma_wait3A_111 = tpu.memref_slice %arg3[%mul3A_110] : memref<320000xi32, #tpu.memory_space<hbm>> -> memref<128xi32, #tpu.memory_space<hbm>>
        tpu.wait_dma2 semaphore(%arg27 : memref<!tpu.dma_semaphore, #tpu.memory_space<semaphore_mem>>) src(%dma_wait3A_111 : memref<128xi32, #tpu.memory_space<hbm>>) dst(%arg15 : memref<128xi32, #tpu.memory_space<vmem>>)
        "tpu.region"() ({
          %run_scoped3A = tpu.sem_alloc : memref<!tpu.dma_semaphore, #tpu.memory_space<semaphore_mem>>
          %dma_start3A = arith.constant 0 : i32
          %dma_start3A_112 = tpu.memref_slice %arg21[%dma_start3A] : memref<10240xf32, #tpu.memory_space<vmem_shared>> -> memref<10240xf32, #tpu.memory_space<vmem_shared>>
          tpu.enqueue_indirect_dma source(%arg20 : memref<128xf32, #tpu.memory_space<vmem>>) target(%dma_start3A_112 : memref<10240xf32, #tpu.memory_space<vmem_shared>>) offsets(%arg15 : memref<128xi32, #tpu.memory_space<vmem>>) semaphore(%run_scoped3A : memref<!tpu.dma_semaphore, #tpu.memory_space<semaphore_mem>>) {add = true}
          %dma_wait3A_113 = arith.constant 0 : i32
          %dma_wait3A_114 = tpu.memref_slice %arg21[%dma_wait3A_113] : memref<10240xf32, #tpu.memory_space<vmem_shared>> -> memref<10240xf32, #tpu.memory_space<vmem_shared>>
          tpu.wait_indirect_dma semaphore(%run_scoped3A : memref<!tpu.dma_semaphore, #tpu.memory_space<semaphore_mem>>) src(%arg20 : memref<128xf32, #tpu.memory_space<vmem>>) dst(%dma_wait3A_114 : memref<10240xf32, #tpu.memory_space<vmem_shared>>)
          tpu.yield
        }) : () -> ()
      } else {
      }
      %add3A_89 = arith.constant 1 : i32
      %add3A_90 = arith.addi %add3A_32, %add3A_89 : i32
      %mul3A_91 = arith.constant 32 : i32
      %mul3A_92 = arith.muli %add3A_90, %mul3A_91 : i32
      %add3A_93 = arith.addi %mul3A_92, %add3A : i32
      %lt3A_94 = arith.constant 2500 : i32
      %lt3A_95 = arith.cmpi slt, %add3A_93, %lt3A_94 : i32
      %convert_element_type3A_96 = arith.extui %lt3A_95 : i1 to i32
      %cond3A_97 = arith.constant 0 : i32
      %cond3A_98 = arith.cmpi ne, %convert_element_type3A_96, %cond3A_97 : i32
      scf.if %cond3A_98 {
        %mul3A_109 = arith.constant 128 : i32
        %mul3A_110 = arith.muli %add3A_93, %mul3A_109 : i32
        %dma_wait3A = tpu.memref_slice %arg5[%mul3A_110] : memref<320000xi32, #tpu.memory_space<hbm>> -> memref<128xi32, #tpu.memory_space<hbm>>
        %dma_wait3A_111 = tpu.memref_slice %arg5[%mul3A_110] : memref<320000xi32, #tpu.memory_space<hbm>> -> memref<128xi32, #tpu.memory_space<hbm>>
        tpu.wait_dma2 semaphore(%arg29 : memref<!tpu.dma_semaphore, #tpu.memory_space<semaphore_mem>>) src(%dma_wait3A_111 : memref<128xi32, #tpu.memory_space<hbm>>) dst(%arg17 : memref<128xi32, #tpu.memory_space<vmem>>)
        %dma_wait3A_112 = arith.constant 0 : i32
        %dma_wait3A_113 = arith.constant 0 : i32
        %dma_wait3A_114 = tpu.memref_slice %arg2[%dma_wait3A_112, %dma_wait3A_113] : memref<10000x128xf32, #tpu.memory_space<hbm>> -> memref<10000x128xf32, #tpu.memory_space<hbm>>
        tpu.wait_indirect_dma semaphore(%arg31 : memref<!tpu.dma_semaphore, #tpu.memory_space<semaphore_mem>>) src(%dma_wait3A_114 : memref<10000x128xf32, #tpu.memory_space<hbm>>) dst(%arg19 : memref<128x128xf32, #tpu.memory_space<vmem>>)
        "tpu.region"() ({
          %run_scoped3A = tpu.sem_alloc : memref<!tpu.dma_semaphore, #tpu.memory_space<semaphore_mem>>
          %dma_start3A = arith.constant 0 : i32
          %dma_start3A_115 = arith.constant 0 : i32
          %dma_start3A_116 = tpu.memref_slice %arg23[%dma_start3A, %dma_start3A_115] : memref<10240x128xf32, #tpu.memory_space<vmem_shared>> -> memref<10240x128xf32, #tpu.memory_space<vmem_shared>>
          tpu.enqueue_indirect_dma source(%arg19 : memref<128x128xf32, #tpu.memory_space<vmem>>) target(%dma_start3A_116 : memref<10240x128xf32, #tpu.memory_space<vmem_shared>>) offsets(%arg17 : memref<128xi32, #tpu.memory_space<vmem>>) semaphore(%run_scoped3A : memref<!tpu.dma_semaphore, #tpu.memory_space<semaphore_mem>>) {add = true}
          %dma_wait3A_117 = arith.constant 0 : i32
          %dma_wait3A_118 = arith.constant 0 : i32
          %dma_wait3A_119 = tpu.memref_slice %arg23[%dma_wait3A_117, %dma_wait3A_118] : memref<10240x128xf32, #tpu.memory_space<vmem_shared>> -> memref<10240x128xf32, #tpu.memory_space<vmem_shared>>
          tpu.wait_indirect_dma semaphore(%run_scoped3A : memref<!tpu.dma_semaphore, #tpu.memory_space<semaphore_mem>>) src(%arg19 : memref<128x128xf32, #tpu.memory_space<vmem>>) dst(%dma_wait3A_119 : memref<10240x128xf32, #tpu.memory_space<vmem_shared>>)
          tpu.yield
        }) : () -> ()
        "tpu.region"() ({
          %run_scoped3A = tpu.sem_alloc : memref<!tpu.dma_semaphore, #tpu.memory_space<semaphore_mem>>
          %dma_start3A = arith.constant 0 : i32
          %dma_start3A_115 = tpu.memref_slice %arg22[%dma_start3A] : memref<10240xf32, #tpu.memory_space<vmem_shared>> -> memref<10240xf32, #tpu.memory_space<vmem_shared>>
          tpu.enqueue_indirect_dma source(%arg20 : memref<128xf32, #tpu.memory_space<vmem>>) target(%dma_start3A_115 : memref<10240xf32, #tpu.memory_space<vmem_shared>>) offsets(%arg17 : memref<128xi32, #tpu.memory_space<vmem>>) semaphore(%run_scoped3A : memref<!tpu.dma_semaphore, #tpu.memory_space<semaphore_mem>>) {add = true}
          %dma_wait3A_116 = arith.constant 0 : i32
          %dma_wait3A_117 = tpu.memref_slice %arg22[%dma_wait3A_116] : memref<10240xf32, #tpu.memory_space<vmem_shared>> -> memref<10240xf32, #tpu.memory_space<vmem_shared>>
          tpu.wait_indirect_dma semaphore(%run_scoped3A : memref<!tpu.dma_semaphore, #tpu.memory_space<semaphore_mem>>) src(%arg20 : memref<128xf32, #tpu.memory_space<vmem>>) dst(%dma_wait3A_117 : memref<10240xf32, #tpu.memory_space<vmem_shared>>)
          tpu.yield
        }) : () -> ()
      } else {
      }
      %add3A_99 = arith.constant 3 : i32
      %add3A_100 = arith.addi %add3A_32, %add3A_99 : i32
      %mul3A_101 = arith.constant 32 : i32
      %mul3A_102 = arith.muli %add3A_100, %mul3A_101 : i32
      %add3A_103 = arith.addi %mul3A_102, %add3A : i32
      %lt3A_104 = arith.constant 2500 : i32
      %lt3A_105 = arith.cmpi slt, %add3A_103, %lt3A_104 : i32
      %convert_element_type3A_106 = arith.extui %lt3A_105 : i1 to i32
      %cond3A_107 = arith.constant 0 : i32
      %cond3A_108 = arith.cmpi ne, %convert_element_type3A_106, %cond3A_107 : i32
      scf.if %cond3A_108 {
        %mul3A_109 = arith.constant 128 : i32
        %mul3A_110 = arith.muli %add3A_103, %mul3A_109 : i32
        %dma_start3A = tpu.memref_slice %arg3[%mul3A_110] : memref<320000xi32, #tpu.memory_space<hbm>> -> memref<128xi32, #tpu.memory_space<hbm>>
        %dma_start3A_111 = tpu.memref_slice %arg3[%mul3A_110] : memref<320000xi32, #tpu.memory_space<hbm>> -> memref<128xi32, #tpu.memory_space<hbm>>
        tpu.enqueue_dma source(%dma_start3A_111 : memref<128xi32, #tpu.memory_space<hbm>>) target(%arg15 : memref<128xi32, #tpu.memory_space<vmem>>) target_semaphore(%arg27 : memref<!tpu.dma_semaphore, #tpu.memory_space<semaphore_mem>>)
        %dma_start3A_112 = tpu.memref_slice %arg4[%mul3A_110] : memref<320000xi32, #tpu.memory_space<hbm>> -> memref<128xi32, #tpu.memory_space<hbm>>
        %dma_start3A_113 = tpu.memref_slice %arg4[%mul3A_110] : memref<320000xi32, #tpu.memory_space<hbm>> -> memref<128xi32, #tpu.memory_space<hbm>>
        tpu.enqueue_dma source(%dma_start3A_113 : memref<128xi32, #tpu.memory_space<hbm>>) target(%arg16 : memref<128xi32, #tpu.memory_space<vmem>>) target_semaphore(%arg28 : memref<!tpu.dma_semaphore, #tpu.memory_space<semaphore_mem>>)
        %dma_start3A_114 = tpu.memref_slice %arg5[%mul3A_110] : memref<320000xi32, #tpu.memory_space<hbm>> -> memref<128xi32, #tpu.memory_space<hbm>>
        %dma_start3A_115 = tpu.memref_slice %arg5[%mul3A_110] : memref<320000xi32, #tpu.memory_space<hbm>> -> memref<128xi32, #tpu.memory_space<hbm>>
        tpu.enqueue_dma source(%dma_start3A_115 : memref<128xi32, #tpu.memory_space<hbm>>) target(%arg17 : memref<128xi32, #tpu.memory_space<vmem>>) target_semaphore(%arg29 : memref<!tpu.dma_semaphore, #tpu.memory_space<semaphore_mem>>)
      } else {
      }
    }
    %scan3A_26 = arith.constant 40 : i32
    %barrier3A_27 = arith.constant 0 : index
    tpu.barrier barrier_id(%barrier3A_27)
    "tpu.region"() ({
      %run_scoped3A = tpu.sem_alloc : memref<!tpu.dma_semaphore, #tpu.memory_space<semaphore_mem>>
      %dma_start3A = tpu.memref_slice %arg9[%arg0, %mul3A_4] : memref<2x10240xf32, #tpu.memory_space<hbm>> -> memref<1x640xf32, #tpu.memory_space<hbm>>
      %dma_start3A_28 = tpu.memref_squeeze %dma_start3A : memref<1x640xf32, #tpu.memory_space<hbm>> -> memref<640xf32, #tpu.memory_space<hbm>>
      %dma_start3A_29 = tpu.memref_slice %arg21[%mul3A_4] : memref<10240xf32, #tpu.memory_space<vmem_shared>> -> memref<640xf32, #tpu.memory_space<vmem_shared>>
      tpu.enqueue_dma source(%dma_start3A_29 : memref<640xf32, #tpu.memory_space<vmem_shared>>) target(%dma_start3A_28 : memref<640xf32, #tpu.memory_space<hbm>>) target_semaphore(%run_scoped3A : memref<!tpu.dma_semaphore, #tpu.memory_space<semaphore_mem>>)
      %dma_wait3A = tpu.memref_slice %arg9[%arg0, %mul3A_4] : memref<2x10240xf32, #tpu.memory_space<hbm>> -> memref<1x640xf32, #tpu.memory_space<hbm>>
      %dma_wait3A_30 = tpu.memref_squeeze %dma_wait3A : memref<1x640xf32, #tpu.memory_space<hbm>> -> memref<640xf32, #tpu.memory_space<hbm>>
      %dma_wait3A_31 = tpu.memref_slice %arg21[%mul3A_4] : memref<10240xf32, #tpu.memory_space<vmem_shared>> -> memref<640xf32, #tpu.memory_space<vmem_shared>>
      tpu.wait_dma2 semaphore(%run_scoped3A : memref<!tpu.dma_semaphore, #tpu.memory_space<semaphore_mem>>) src(%dma_wait3A_31 : memref<640xf32, #tpu.memory_space<vmem_shared>>) dst(%dma_wait3A_30 : memref<640xf32, #tpu.memory_space<hbm>>)
      tpu.yield
    }) : () -> ()
    "tpu.region"() ({
      %run_scoped3A = tpu.sem_alloc : memref<!tpu.dma_semaphore, #tpu.memory_space<semaphore_mem>>
      %dma_start3A = tpu.memref_slice %arg10[%arg0, %mul3A_4] : memref<2x10240xf32, #tpu.memory_space<hbm>> -> memref<1x640xf32, #tpu.memory_space<hbm>>
      %dma_start3A_28 = tpu.memref_squeeze %dma_start3A : memref<1x640xf32, #tpu.memory_space<hbm>> -> memref<640xf32, #tpu.memory_space<hbm>>
      %dma_start3A_29 = tpu.memref_slice %arg22[%mul3A_4] : memref<10240xf32, #tpu.memory_space<vmem_shared>> -> memref<640xf32, #tpu.memory_space<vmem_shared>>
      tpu.enqueue_dma source(%dma_start3A_29 : memref<640xf32, #tpu.memory_space<vmem_shared>>) target(%dma_start3A_28 : memref<640xf32, #tpu.memory_space<hbm>>) target_semaphore(%run_scoped3A : memref<!tpu.dma_semaphore, #tpu.memory_space<semaphore_mem>>)
      %dma_wait3A = tpu.memref_slice %arg10[%arg0, %mul3A_4] : memref<2x10240xf32, #tpu.memory_space<hbm>> -> memref<1x640xf32, #tpu.memory_space<hbm>>
      %dma_wait3A_30 = tpu.memref_squeeze %dma_wait3A : memref<1x640xf32, #tpu.memory_space<hbm>> -> memref<640xf32, #tpu.memory_space<hbm>>
      %dma_wait3A_31 = tpu.memref_slice %arg22[%mul3A_4] : memref<10240xf32, #tpu.memory_space<vmem_shared>> -> memref<640xf32, #tpu.memory_space<vmem_shared>>
      tpu.wait_dma2 semaphore(%run_scoped3A : memref<!tpu.dma_semaphore, #tpu.memory_space<semaphore_mem>>) src(%dma_wait3A_31 : memref<640xf32, #tpu.memory_space<vmem_shared>>) dst(%dma_wait3A_30 : memref<640xf32, #tpu.memory_space<hbm>>)
      tpu.yield
    }) : () -> ()
    "tpu.region"() ({
      %run_scoped3A = tpu.sem_alloc : memref<!tpu.dma_semaphore, #tpu.memory_space<semaphore_mem>>
      %dma_start3A = arith.constant 0 : i32
      %dma_start3A_28 = tpu.memref_slice %arg11[%arg0, %mul3A_2, %dma_start3A] : memref<2x10240x128xf32, #tpu.memory_space<hbm>> -> memref<1x640x128xf32, #tpu.memory_space<hbm>>
      %dma_start3A_29 = tpu.memref_squeeze %dma_start3A_28 : memref<1x640x128xf32, #tpu.memory_space<hbm>> -> memref<640x128xf32, #tpu.memory_space<hbm>>
      %dma_start3A_30 = arith.constant 0 : i32
      %dma_start3A_31 = tpu.memref_slice %arg23[%mul3A_2, %dma_start3A_30] : memref<10240x128xf32, #tpu.memory_space<vmem_shared>> -> memref<640x128xf32, #tpu.memory_space<vmem_shared>>
      tpu.enqueue_dma source(%dma_start3A_31 : memref<640x128xf32, #tpu.memory_space<vmem_shared>>) target(%dma_start3A_29 : memref<640x128xf32, #tpu.memory_space<hbm>>) target_semaphore(%run_scoped3A : memref<!tpu.dma_semaphore, #tpu.memory_space<semaphore_mem>>)
      %dma_wait3A = arith.constant 0 : i32
      %dma_wait3A_32 = tpu.memref_slice %arg11[%arg0, %mul3A_2, %dma_wait3A] : memref<2x10240x128xf32, #tpu.memory_space<hbm>> -> memref<1x640x128xf32, #tpu.memory_space<hbm>>
      %dma_wait3A_33 = tpu.memref_squeeze %dma_wait3A_32 : memref<1x640x128xf32, #tpu.memory_space<hbm>> -> memref<640x128xf32, #tpu.memory_space<hbm>>
      %dma_wait3A_34 = arith.constant 0 : i32
      %dma_wait3A_35 = tpu.memref_slice %arg23[%mul3A_2, %dma_wait3A_34] : memref<10240x128xf32, #tpu.memory_space<vmem_shared>> -> memref<640x128xf32, #tpu.memory_space<vmem_shared>>
      tpu.wait_dma2 semaphore(%run_scoped3A : memref<!tpu.dma_semaphore, #tpu.memory_space<semaphore_mem>>) src(%dma_wait3A_35 : memref<640x128xf32, #tpu.memory_space<vmem_shared>>) dst(%dma_wait3A_33 : memref<640x128xf32, #tpu.memory_space<hbm>>)
      tpu.yield
    }) : () -> ()
    return
  }
}

#map = affine_map<(d0, d1) -> (0, 0)>
#map1 = affine_map<(d0, d1) -> (0)>
#map2 = affine_map<(d0, d1) -> (0, 0, 0)>
module attributes {stable_mosaic.version = 14 : i64} {
  func.func @run(%arg0: i32, %arg1: i32, %arg2: memref<10000x128xf32, #tpu.memory_space<hbm>>, %arg3: memref<320000xi32, #tpu.memory_space<hbm>>, %arg4: memref<320000xi32, #tpu.memory_space<hbm>>, %arg5: memref<640x128xf32, #tpu.memory_space<hbm>>, %arg6: memref<2x10240x128xf32, #tpu.memory_space<hbm>>, %arg7: memref<128xi32, #tpu.memory_space<vmem>>, %arg8: memref<128xi32, #tpu.memory_space<vmem>>, %arg9: memref<128xi32, #tpu.memory_space<vmem>>, %arg10: memref<128xi32, #tpu.memory_space<vmem>>, %arg11: memref<128x128xf32, #tpu.memory_space<vmem>>, %arg12: memref<128x128xf32, #tpu.memory_space<vmem>>, %arg13: memref<10240x128xf32, #tpu.memory_space<vmem_shared>>, %arg14: memref<!tpu.dma_semaphore, #tpu.memory_space<semaphore_mem>>, %arg15: memref<!tpu.dma_semaphore, #tpu.memory_space<semaphore_mem>>, %arg16: memref<!tpu.dma_semaphore, #tpu.memory_space<semaphore_mem>>, %arg17: memref<!tpu.dma_semaphore, #tpu.memory_space<semaphore_mem>>, %arg18: memref<!tpu.dma_semaphore, #tpu.memory_space<semaphore_mem>>, %arg19: memref<!tpu.dma_semaphore, #tpu.memory_space<semaphore_mem>>, %arg20: memref<!tpu.dma_semaphore, #tpu.memory_space<semaphore_mem>>, %arg21: memref<!tpu.dma_semaphore, #tpu.memory_space<semaphore_mem>>) attributes {dimension_semantics = [#tpu.dimension_semantics<core_parallel>, #tpu.dimension_semantics<subcore_parallel>], iteration_bounds = array<i64: 2, 16>, scalar_prefetch = 0 : i64, scratch_operands = 15 : i64, tpu.core_type = #tpu.core_type<sc_vector_subcore>, window_params = [{transform_indices = #map}, {transform_indices = #map1}, {transform_indices = #map1}, {transform_indices = #map}, {transform_indices = #map2}]} {
    %mul3A = arith.constant 16 : i32
    %mul3A_0 = arith.muli %arg0, %mul3A : i32
    %add3A = arith.addi %mul3A_0, %arg1 : i32
    %mul3A_1 = arith.constant 640 : i32
    %mul3A_2 = arith.muli %arg1, %mul3A_1 : i32
    "tpu.region"() ({
      %run_scoped3A = tpu.sem_alloc : memref<!tpu.dma_semaphore, #tpu.memory_space<semaphore_mem>>
      %dma_start3A = arith.constant 0 : i32
      %dma_start3A_26 = tpu.memref_slice %arg13[%mul3A_2, %dma_start3A] : memref<10240x128xf32, #tpu.memory_space<vmem_shared>> -> memref<640x128xf32, #tpu.memory_space<vmem_shared>>
      tpu.enqueue_dma source(%arg5 : memref<640x128xf32, #tpu.memory_space<hbm>>) target(%dma_start3A_26 : memref<640x128xf32, #tpu.memory_space<vmem_shared>>) target_semaphore(%run_scoped3A : memref<!tpu.dma_semaphore, #tpu.memory_space<semaphore_mem>>)
      %dma_wait3A = arith.constant 0 : i32
      %dma_wait3A_27 = tpu.memref_slice %arg13[%mul3A_2, %dma_wait3A] : memref<10240x128xf32, #tpu.memory_space<vmem_shared>> -> memref<640x128xf32, #tpu.memory_space<vmem_shared>>
      tpu.wait_dma2 semaphore(%run_scoped3A : memref<!tpu.dma_semaphore, #tpu.memory_space<semaphore_mem>>) src(%arg5 : memref<640x128xf32, #tpu.memory_space<hbm>>) dst(%dma_wait3A_27 : memref<640x128xf32, #tpu.memory_space<vmem_shared>>)
      tpu.yield
    }) : () -> ()
    %barrier3A = arith.constant 0 : index
    tpu.barrier barrier_id(%barrier3A)
    %add3A_3 = arith.constant 0 : i32
    %add3A_4 = arith.addi %add3A_3, %add3A : i32
    %lt3A = arith.constant 2500 : i32
    %lt3A_5 = arith.cmpi slt, %add3A_4, %lt3A : i32
    %convert_element_type3A = arith.extui %lt3A_5 : i1 to i32
    %cond3A = arith.constant 0 : i32
    %cond3A_6 = arith.cmpi ne, %convert_element_type3A, %cond3A : i32
    scf.if %cond3A_6 {
      %mul3A_26 = arith.constant 128 : i32
      %mul3A_27 = arith.muli %add3A_4, %mul3A_26 : i32
      %dma_start3A = tpu.memref_slice %arg3[%mul3A_27] : memref<320000xi32, #tpu.memory_space<hbm>> -> memref<128xi32, #tpu.memory_space<hbm>>
      %dma_start3A_28 = tpu.memref_slice %arg3[%mul3A_27] : memref<320000xi32, #tpu.memory_space<hbm>> -> memref<128xi32, #tpu.memory_space<hbm>>
      tpu.enqueue_dma source(%dma_start3A_28 : memref<128xi32, #tpu.memory_space<hbm>>) target(%arg7 : memref<128xi32, #tpu.memory_space<vmem>>) target_semaphore(%arg14 : memref<!tpu.dma_semaphore, #tpu.memory_space<semaphore_mem>>)
      %dma_start3A_29 = tpu.memref_slice %arg4[%mul3A_27] : memref<320000xi32, #tpu.memory_space<hbm>> -> memref<128xi32, #tpu.memory_space<hbm>>
      %dma_start3A_30 = tpu.memref_slice %arg4[%mul3A_27] : memref<320000xi32, #tpu.memory_space<hbm>> -> memref<128xi32, #tpu.memory_space<hbm>>
      tpu.enqueue_dma source(%dma_start3A_30 : memref<128xi32, #tpu.memory_space<hbm>>) target(%arg8 : memref<128xi32, #tpu.memory_space<vmem>>) target_semaphore(%arg15 : memref<!tpu.dma_semaphore, #tpu.memory_space<semaphore_mem>>)
    } else {
    }
    %add3A_7 = arith.constant 32 : i32
    %add3A_8 = arith.addi %add3A_7, %add3A : i32
    %lt3A_9 = arith.constant 2500 : i32
    %lt3A_10 = arith.cmpi slt, %add3A_8, %lt3A_9 : i32
    %convert_element_type3A_11 = arith.extui %lt3A_10 : i1 to i32
    %cond3A_12 = arith.constant 0 : i32
    %cond3A_13 = arith.cmpi ne, %convert_element_type3A_11, %cond3A_12 : i32
    scf.if %cond3A_13 {
      %mul3A_26 = arith.constant 128 : i32
      %mul3A_27 = arith.muli %add3A_8, %mul3A_26 : i32
      %dma_start3A = tpu.memref_slice %arg3[%mul3A_27] : memref<320000xi32, #tpu.memory_space<hbm>> -> memref<128xi32, #tpu.memory_space<hbm>>
      %dma_start3A_28 = tpu.memref_slice %arg3[%mul3A_27] : memref<320000xi32, #tpu.memory_space<hbm>> -> memref<128xi32, #tpu.memory_space<hbm>>
      tpu.enqueue_dma source(%dma_start3A_28 : memref<128xi32, #tpu.memory_space<hbm>>) target(%arg9 : memref<128xi32, #tpu.memory_space<vmem>>) target_semaphore(%arg16 : memref<!tpu.dma_semaphore, #tpu.memory_space<semaphore_mem>>)
      %dma_start3A_29 = tpu.memref_slice %arg4[%mul3A_27] : memref<320000xi32, #tpu.memory_space<hbm>> -> memref<128xi32, #tpu.memory_space<hbm>>
      %dma_start3A_30 = tpu.memref_slice %arg4[%mul3A_27] : memref<320000xi32, #tpu.memory_space<hbm>> -> memref<128xi32, #tpu.memory_space<hbm>>
      tpu.enqueue_dma source(%dma_start3A_30 : memref<128xi32, #tpu.memory_space<hbm>>) target(%arg10 : memref<128xi32, #tpu.memory_space<vmem>>) target_semaphore(%arg17 : memref<!tpu.dma_semaphore, #tpu.memory_space<semaphore_mem>>)
    } else {
    }
    %add3A_14 = arith.constant 0 : i32
    %add3A_15 = arith.addi %add3A_14, %add3A : i32
    %lt3A_16 = arith.constant 2500 : i32
    %lt3A_17 = arith.cmpi slt, %add3A_15, %lt3A_16 : i32
    %convert_element_type3A_18 = arith.extui %lt3A_17 : i1 to i32
    %cond3A_19 = arith.constant 0 : i32
    %cond3A_20 = arith.cmpi ne, %convert_element_type3A_18, %cond3A_19 : i32
    scf.if %cond3A_20 {
      %mul3A_26 = arith.constant 128 : i32
      %mul3A_27 = arith.muli %add3A_15, %mul3A_26 : i32
      %dma_wait3A = tpu.memref_slice %arg3[%mul3A_27] : memref<320000xi32, #tpu.memory_space<hbm>> -> memref<128xi32, #tpu.memory_space<hbm>>
      %dma_wait3A_28 = tpu.memref_slice %arg3[%mul3A_27] : memref<320000xi32, #tpu.memory_space<hbm>> -> memref<128xi32, #tpu.memory_space<hbm>>
      tpu.wait_dma2 semaphore(%arg14 : memref<!tpu.dma_semaphore, #tpu.memory_space<semaphore_mem>>) src(%dma_wait3A_28 : memref<128xi32, #tpu.memory_space<hbm>>) dst(%arg7 : memref<128xi32, #tpu.memory_space<vmem>>)
      %dma_wait3A_29 = tpu.memref_slice %arg4[%mul3A_27] : memref<320000xi32, #tpu.memory_space<hbm>> -> memref<128xi32, #tpu.memory_space<hbm>>
      %dma_wait3A_30 = tpu.memref_slice %arg4[%mul3A_27] : memref<320000xi32, #tpu.memory_space<hbm>> -> memref<128xi32, #tpu.memory_space<hbm>>
      tpu.wait_dma2 semaphore(%arg15 : memref<!tpu.dma_semaphore, #tpu.memory_space<semaphore_mem>>) src(%dma_wait3A_30 : memref<128xi32, #tpu.memory_space<hbm>>) dst(%arg8 : memref<128xi32, #tpu.memory_space<vmem>>)
      %dma_start3A = arith.constant 0 : i32
      %dma_start3A_31 = arith.constant 0 : i32
      %dma_start3A_32 = tpu.memref_slice %arg2[%dma_start3A, %dma_start3A_31] : memref<10000x128xf32, #tpu.memory_space<hbm>> -> memref<10000x128xf32, #tpu.memory_space<hbm>>
      tpu.enqueue_indirect_dma source(%dma_start3A_32 : memref<10000x128xf32, #tpu.memory_space<hbm>>) target(%arg11 : memref<128x128xf32, #tpu.memory_space<vmem>>) offsets(%arg7 : memref<128xi32, #tpu.memory_space<vmem>>) semaphore(%arg18 : memref<!tpu.dma_semaphore, #tpu.memory_space<semaphore_mem>>)
    } else {
    }
    %scan3A = arith.constant 0 : i32
    %scan3A_21 = arith.constant 40 : i32
    %scan3A_22 = arith.addi %scan3A, %scan3A_21 : i32
    %scan3A_23 = arith.constant 1 : i32
    scf.for %scan3A_26 = %scan3A to %scan3A_22 step %scan3A_23  : i32 {
      %mul3A_27 = arith.constant 2 : i32
      %mul3A_28 = arith.muli %scan3A_26, %mul3A_27 : i32
      %add3A_29 = arith.constant 0 : i32
      %add3A_30 = arith.addi %add3A_29, %mul3A_28 : i32
      %add3A_31 = arith.constant 1 : i32
      %add3A_32 = arith.addi %add3A_30, %add3A_31 : i32
      %mul3A_33 = arith.constant 32 : i32
      %mul3A_34 = arith.muli %add3A_32, %mul3A_33 : i32
      %add3A_35 = arith.addi %mul3A_34, %add3A : i32
      %lt3A_36 = arith.constant 2500 : i32
      %lt3A_37 = arith.cmpi slt, %add3A_35, %lt3A_36 : i32
      %convert_element_type3A_38 = arith.extui %lt3A_37 : i1 to i32
      %cond3A_39 = arith.constant 0 : i32
      %cond3A_40 = arith.cmpi ne, %convert_element_type3A_38, %cond3A_39 : i32
      scf.if %cond3A_40 {
        %mul3A_89 = arith.constant 128 : i32
        %mul3A_90 = arith.muli %add3A_35, %mul3A_89 : i32
        %dma_wait3A = tpu.memref_slice %arg3[%mul3A_90] : memref<320000xi32, #tpu.memory_space<hbm>> -> memref<128xi32, #tpu.memory_space<hbm>>
        %dma_wait3A_91 = tpu.memref_slice %arg3[%mul3A_90] : memref<320000xi32, #tpu.memory_space<hbm>> -> memref<128xi32, #tpu.memory_space<hbm>>
        tpu.wait_dma2 semaphore(%arg16 : memref<!tpu.dma_semaphore, #tpu.memory_space<semaphore_mem>>) src(%dma_wait3A_91 : memref<128xi32, #tpu.memory_space<hbm>>) dst(%arg9 : memref<128xi32, #tpu.memory_space<vmem>>)
        %dma_wait3A_92 = tpu.memref_slice %arg4[%mul3A_90] : memref<320000xi32, #tpu.memory_space<hbm>> -> memref<128xi32, #tpu.memory_space<hbm>>
        %dma_wait3A_93 = tpu.memref_slice %arg4[%mul3A_90] : memref<320000xi32, #tpu.memory_space<hbm>> -> memref<128xi32, #tpu.memory_space<hbm>>
        tpu.wait_dma2 semaphore(%arg17 : memref<!tpu.dma_semaphore, #tpu.memory_space<semaphore_mem>>) src(%dma_wait3A_93 : memref<128xi32, #tpu.memory_space<hbm>>) dst(%arg10 : memref<128xi32, #tpu.memory_space<vmem>>)
        %dma_start3A = arith.constant 0 : i32
        %dma_start3A_94 = arith.constant 0 : i32
        %dma_start3A_95 = tpu.memref_slice %arg2[%dma_start3A, %dma_start3A_94] : memref<10000x128xf32, #tpu.memory_space<hbm>> -> memref<10000x128xf32, #tpu.memory_space<hbm>>
        tpu.enqueue_indirect_dma source(%dma_start3A_95 : memref<10000x128xf32, #tpu.memory_space<hbm>>) target(%arg12 : memref<128x128xf32, #tpu.memory_space<vmem>>) offsets(%arg9 : memref<128xi32, #tpu.memory_space<vmem>>) semaphore(%arg19 : memref<!tpu.dma_semaphore, #tpu.memory_space<semaphore_mem>>)
      } else {
      }
      %mul3A_41 = arith.constant 32 : i32
      %mul3A_42 = arith.muli %add3A_30, %mul3A_41 : i32
      %add3A_43 = arith.addi %mul3A_42, %add3A : i32
      %lt3A_44 = arith.constant 2500 : i32
      %lt3A_45 = arith.cmpi slt, %add3A_43, %lt3A_44 : i32
      %convert_element_type3A_46 = arith.extui %lt3A_45 : i1 to i32
      %cond3A_47 = arith.constant 0 : i32
      %cond3A_48 = arith.cmpi ne, %convert_element_type3A_46, %cond3A_47 : i32
      scf.if %cond3A_48 {
        %dma_wait3A = arith.constant 0 : i32
        %dma_wait3A_89 = arith.constant 0 : i32
        %dma_wait3A_90 = tpu.memref_slice %arg2[%dma_wait3A, %dma_wait3A_89] : memref<10000x128xf32, #tpu.memory_space<hbm>> -> memref<10000x128xf32, #tpu.memory_space<hbm>>
        tpu.wait_indirect_dma semaphore(%arg18 : memref<!tpu.dma_semaphore, #tpu.memory_space<semaphore_mem>>) src(%dma_wait3A_90 : memref<10000x128xf32, #tpu.memory_space<hbm>>) dst(%arg11 : memref<128x128xf32, #tpu.memory_space<vmem>>)
        "tpu.region"() ({
          %run_scoped3A = tpu.sem_alloc : memref<!tpu.dma_semaphore, #tpu.memory_space<semaphore_mem>>
          %dma_start3A = arith.constant 0 : i32
          %dma_start3A_91 = arith.constant 0 : i32
          %dma_start3A_92 = tpu.memref_slice %arg13[%dma_start3A, %dma_start3A_91] : memref<10240x128xf32, #tpu.memory_space<vmem_shared>> -> memref<10240x128xf32, #tpu.memory_space<vmem_shared>>
          tpu.enqueue_indirect_dma source(%arg11 : memref<128x128xf32, #tpu.memory_space<vmem>>) target(%dma_start3A_92 : memref<10240x128xf32, #tpu.memory_space<vmem_shared>>) offsets(%arg8 : memref<128xi32, #tpu.memory_space<vmem>>) semaphore(%run_scoped3A : memref<!tpu.dma_semaphore, #tpu.memory_space<semaphore_mem>>) {add = true}
          %dma_wait3A_93 = arith.constant 0 : i32
          %dma_wait3A_94 = arith.constant 0 : i32
          %dma_wait3A_95 = tpu.memref_slice %arg13[%dma_wait3A_93, %dma_wait3A_94] : memref<10240x128xf32, #tpu.memory_space<vmem_shared>> -> memref<10240x128xf32, #tpu.memory_space<vmem_shared>>
          tpu.wait_indirect_dma semaphore(%run_scoped3A : memref<!tpu.dma_semaphore, #tpu.memory_space<semaphore_mem>>) src(%arg11 : memref<128x128xf32, #tpu.memory_space<vmem>>) dst(%dma_wait3A_95 : memref<10240x128xf32, #tpu.memory_space<vmem_shared>>)
          tpu.yield
        }) : () -> ()
      } else {
      }
      %add3A_49 = arith.constant 2 : i32
      %add3A_50 = arith.addi %add3A_30, %add3A_49 : i32
      %mul3A_51 = arith.constant 32 : i32
      %mul3A_52 = arith.muli %add3A_50, %mul3A_51 : i32
      %add3A_53 = arith.addi %mul3A_52, %add3A : i32
      %lt3A_54 = arith.constant 2500 : i32
      %lt3A_55 = arith.cmpi slt, %add3A_53, %lt3A_54 : i32
      %convert_element_type3A_56 = arith.extui %lt3A_55 : i1 to i32
      %cond3A_57 = arith.constant 0 : i32
      %cond3A_58 = arith.cmpi ne, %convert_element_type3A_56, %cond3A_57 : i32
      scf.if %cond3A_58 {
        %mul3A_89 = arith.constant 128 : i32
        %mul3A_90 = arith.muli %add3A_53, %mul3A_89 : i32
        %dma_start3A = tpu.memref_slice %arg3[%mul3A_90] : memref<320000xi32, #tpu.memory_space<hbm>> -> memref<128xi32, #tpu.memory_space<hbm>>
        %dma_start3A_91 = tpu.memref_slice %arg3[%mul3A_90] : memref<320000xi32, #tpu.memory_space<hbm>> -> memref<128xi32, #tpu.memory_space<hbm>>
        tpu.enqueue_dma source(%dma_start3A_91 : memref<128xi32, #tpu.memory_space<hbm>>) target(%arg7 : memref<128xi32, #tpu.memory_space<vmem>>) target_semaphore(%arg14 : memref<!tpu.dma_semaphore, #tpu.memory_space<semaphore_mem>>)
        %dma_start3A_92 = tpu.memref_slice %arg4[%mul3A_90] : memref<320000xi32, #tpu.memory_space<hbm>> -> memref<128xi32, #tpu.memory_space<hbm>>
        %dma_start3A_93 = tpu.memref_slice %arg4[%mul3A_90] : memref<320000xi32, #tpu.memory_space<hbm>> -> memref<128xi32, #tpu.memory_space<hbm>>
        tpu.enqueue_dma source(%dma_start3A_93 : memref<128xi32, #tpu.memory_space<hbm>>) target(%arg8 : memref<128xi32, #tpu.memory_space<vmem>>) target_semaphore(%arg15 : memref<!tpu.dma_semaphore, #tpu.memory_space<semaphore_mem>>)
      } else {
      }
      %add3A_59 = arith.constant 2 : i32
      %add3A_60 = arith.addi %add3A_30, %add3A_59 : i32
      %mul3A_61 = arith.constant 32 : i32
      %mul3A_62 = arith.muli %add3A_60, %mul3A_61 : i32
      %add3A_63 = arith.addi %mul3A_62, %add3A : i32
      %lt3A_64 = arith.constant 2500 : i32
      %lt3A_65 = arith.cmpi slt, %add3A_63, %lt3A_64 : i32
      %convert_element_type3A_66 = arith.extui %lt3A_65 : i1 to i32
      %cond3A_67 = arith.constant 0 : i32
      %cond3A_68 = arith.cmpi ne, %convert_element_type3A_66, %cond3A_67 : i32
      scf.if %cond3A_68 {
        %mul3A_89 = arith.constant 128 : i32
        %mul3A_90 = arith.muli %add3A_63, %mul3A_89 : i32
        %dma_wait3A = tpu.memref_slice %arg3[%mul3A_90] : memref<320000xi32, #tpu.memory_space<hbm>> -> memref<128xi32, #tpu.memory_space<hbm>>
        %dma_wait3A_91 = tpu.memref_slice %arg3[%mul3A_90] : memref<320000xi32, #tpu.memory_space<hbm>> -> memref<128xi32, #tpu.memory_space<hbm>>
        tpu.wait_dma2 semaphore(%arg14 : memref<!tpu.dma_semaphore, #tpu.memory_space<semaphore_mem>>) src(%dma_wait3A_91 : memref<128xi32, #tpu.memory_space<hbm>>) dst(%arg7 : memref<128xi32, #tpu.memory_space<vmem>>)
        %dma_wait3A_92 = tpu.memref_slice %arg4[%mul3A_90] : memref<320000xi32, #tpu.memory_space<hbm>> -> memref<128xi32, #tpu.memory_space<hbm>>
        %dma_wait3A_93 = tpu.memref_slice %arg4[%mul3A_90] : memref<320000xi32, #tpu.memory_space<hbm>> -> memref<128xi32, #tpu.memory_space<hbm>>
        tpu.wait_dma2 semaphore(%arg15 : memref<!tpu.dma_semaphore, #tpu.memory_space<semaphore_mem>>) src(%dma_wait3A_93 : memref<128xi32, #tpu.memory_space<hbm>>) dst(%arg8 : memref<128xi32, #tpu.memory_space<vmem>>)
        %dma_start3A = arith.constant 0 : i32
        %dma_start3A_94 = arith.constant 0 : i32
        %dma_start3A_95 = tpu.memref_slice %arg2[%dma_start3A, %dma_start3A_94] : memref<10000x128xf32, #tpu.memory_space<hbm>> -> memref<10000x128xf32, #tpu.memory_space<hbm>>
        tpu.enqueue_indirect_dma source(%dma_start3A_95 : memref<10000x128xf32, #tpu.memory_space<hbm>>) target(%arg11 : memref<128x128xf32, #tpu.memory_space<vmem>>) offsets(%arg7 : memref<128xi32, #tpu.memory_space<vmem>>) semaphore(%arg18 : memref<!tpu.dma_semaphore, #tpu.memory_space<semaphore_mem>>)
      } else {
      }
      %add3A_69 = arith.constant 1 : i32
      %add3A_70 = arith.addi %add3A_30, %add3A_69 : i32
      %mul3A_71 = arith.constant 32 : i32
      %mul3A_72 = arith.muli %add3A_70, %mul3A_71 : i32
      %add3A_73 = arith.addi %mul3A_72, %add3A : i32
      %lt3A_74 = arith.constant 2500 : i32
      %lt3A_75 = arith.cmpi slt, %add3A_73, %lt3A_74 : i32
      %convert_element_type3A_76 = arith.extui %lt3A_75 : i1 to i32
      %cond3A_77 = arith.constant 0 : i32
      %cond3A_78 = arith.cmpi ne, %convert_element_type3A_76, %cond3A_77 : i32
      scf.if %cond3A_78 {
        %dma_wait3A = arith.constant 0 : i32
        %dma_wait3A_89 = arith.constant 0 : i32
        %dma_wait3A_90 = tpu.memref_slice %arg2[%dma_wait3A, %dma_wait3A_89] : memref<10000x128xf32, #tpu.memory_space<hbm>> -> memref<10000x128xf32, #tpu.memory_space<hbm>>
        tpu.wait_indirect_dma semaphore(%arg19 : memref<!tpu.dma_semaphore, #tpu.memory_space<semaphore_mem>>) src(%dma_wait3A_90 : memref<10000x128xf32, #tpu.memory_space<hbm>>) dst(%arg12 : memref<128x128xf32, #tpu.memory_space<vmem>>)
        "tpu.region"() ({
          %run_scoped3A = tpu.sem_alloc : memref<!tpu.dma_semaphore, #tpu.memory_space<semaphore_mem>>
          %dma_start3A = arith.constant 0 : i32
          %dma_start3A_91 = arith.constant 0 : i32
          %dma_start3A_92 = tpu.memref_slice %arg13[%dma_start3A, %dma_start3A_91] : memref<10240x128xf32, #tpu.memory_space<vmem_shared>> -> memref<10240x128xf32, #tpu.memory_space<vmem_shared>>
          tpu.enqueue_indirect_dma source(%arg12 : memref<128x128xf32, #tpu.memory_space<vmem>>) target(%dma_start3A_92 : memref<10240x128xf32, #tpu.memory_space<vmem_shared>>) offsets(%arg10 : memref<128xi32, #tpu.memory_space<vmem>>) semaphore(%run_scoped3A : memref<!tpu.dma_semaphore, #tpu.memory_space<semaphore_mem>>) {add = true}
          %dma_wait3A_93 = arith.constant 0 : i32
          %dma_wait3A_94 = arith.constant 0 : i32
          %dma_wait3A_95 = tpu.memref_slice %arg13[%dma_wait3A_93, %dma_wait3A_94] : memref<10240x128xf32, #tpu.memory_space<vmem_shared>> -> memref<10240x128xf32, #tpu.memory_space<vmem_shared>>
          tpu.wait_indirect_dma semaphore(%run_scoped3A : memref<!tpu.dma_semaphore, #tpu.memory_space<semaphore_mem>>) src(%arg12 : memref<128x128xf32, #tpu.memory_space<vmem>>) dst(%dma_wait3A_95 : memref<10240x128xf32, #tpu.memory_space<vmem_shared>>)
          tpu.yield
        }) : () -> ()
      } else {
      }
      %add3A_79 = arith.constant 3 : i32
      %add3A_80 = arith.addi %add3A_30, %add3A_79 : i32
      %mul3A_81 = arith.constant 32 : i32
      %mul3A_82 = arith.muli %add3A_80, %mul3A_81 : i32
      %add3A_83 = arith.addi %mul3A_82, %add3A : i32
      %lt3A_84 = arith.constant 2500 : i32
      %lt3A_85 = arith.cmpi slt, %add3A_83, %lt3A_84 : i32
      %convert_element_type3A_86 = arith.extui %lt3A_85 : i1 to i32
      %cond3A_87 = arith.constant 0 : i32
      %cond3A_88 = arith.cmpi ne, %convert_element_type3A_86, %cond3A_87 : i32
      scf.if %cond3A_88 {
        %mul3A_89 = arith.constant 128 : i32
        %mul3A_90 = arith.muli %add3A_83, %mul3A_89 : i32
        %dma_start3A = tpu.memref_slice %arg3[%mul3A_90] : memref<320000xi32, #tpu.memory_space<hbm>> -> memref<128xi32, #tpu.memory_space<hbm>>
        %dma_start3A_91 = tpu.memref_slice %arg3[%mul3A_90] : memref<320000xi32, #tpu.memory_space<hbm>> -> memref<128xi32, #tpu.memory_space<hbm>>
        tpu.enqueue_dma source(%dma_start3A_91 : memref<128xi32, #tpu.memory_space<hbm>>) target(%arg9 : memref<128xi32, #tpu.memory_space<vmem>>) target_semaphore(%arg16 : memref<!tpu.dma_semaphore, #tpu.memory_space<semaphore_mem>>)
        %dma_start3A_92 = tpu.memref_slice %arg4[%mul3A_90] : memref<320000xi32, #tpu.memory_space<hbm>> -> memref<128xi32, #tpu.memory_space<hbm>>
        %dma_start3A_93 = tpu.memref_slice %arg4[%mul3A_90] : memref<320000xi32, #tpu.memory_space<hbm>> -> memref<128xi32, #tpu.memory_space<hbm>>
        tpu.enqueue_dma source(%dma_start3A_93 : memref<128xi32, #tpu.memory_space<hbm>>) target(%arg10 : memref<128xi32, #tpu.memory_space<vmem>>) target_semaphore(%arg17 : memref<!tpu.dma_semaphore, #tpu.memory_space<semaphore_mem>>)
      } else {
      }
    }
    %scan3A_24 = arith.constant 40 : i32
    %barrier3A_25 = arith.constant 0 : index
    tpu.barrier barrier_id(%barrier3A_25)
    "tpu.region"() ({
      %run_scoped3A = tpu.sem_alloc : memref<!tpu.dma_semaphore, #tpu.memory_space<semaphore_mem>>
      %dma_start3A = arith.constant 0 : i32
      %dma_start3A_26 = tpu.memref_slice %arg6[%arg0, %mul3A_2, %dma_start3A] : memref<2x10240x128xf32, #tpu.memory_space<hbm>> -> memref<1x640x128xf32, #tpu.memory_space<hbm>>
      %dma_start3A_27 = tpu.memref_squeeze %dma_start3A_26 : memref<1x640x128xf32, #tpu.memory_space<hbm>> -> memref<640x128xf32, #tpu.memory_space<hbm>>
      %dma_start3A_28 = arith.constant 0 : i32
      %dma_start3A_29 = tpu.memref_slice %arg13[%mul3A_2, %dma_start3A_28] : memref<10240x128xf32, #tpu.memory_space<vmem_shared>> -> memref<640x128xf32, #tpu.memory_space<vmem_shared>>
      tpu.enqueue_dma source(%dma_start3A_29 : memref<640x128xf32, #tpu.memory_space<vmem_shared>>) target(%dma_start3A_27 : memref<640x128xf32, #tpu.memory_space<hbm>>) target_semaphore(%run_scoped3A : memref<!tpu.dma_semaphore, #tpu.memory_space<semaphore_mem>>)
      %dma_wait3A = arith.constant 0 : i32
      %dma_wait3A_30 = tpu.memref_slice %arg6[%arg0, %mul3A_2, %dma_wait3A] : memref<2x10240x128xf32, #tpu.memory_space<hbm>> -> memref<1x640x128xf32, #tpu.memory_space<hbm>>
      %dma_wait3A_31 = tpu.memref_squeeze %dma_wait3A_30 : memref<1x640x128xf32, #tpu.memory_space<hbm>> -> memref<640x128xf32, #tpu.memory_space<hbm>>
      %dma_wait3A_32 = arith.constant 0 : i32
      %dma_wait3A_33 = tpu.memref_slice %arg13[%mul3A_2, %dma_wait3A_32] : memref<10240x128xf32, #tpu.memory_space<vmem_shared>> -> memref<640x128xf32, #tpu.memory_space<vmem_shared>>
      tpu.wait_dma2 semaphore(%run_scoped3A : memref<!tpu.dma_semaphore, #tpu.memory_space<semaphore_mem>>) src(%dma_wait3A_33 : memref<640x128xf32, #tpu.memory_space<vmem_shared>>) dst(%dma_wait3A_31 : memref<640x128xf32, #tpu.memory_space<hbm>>)
      tpu.yield
    }) : () -> ()
    return
  }
}

#map = affine_map<(d0, d1) -> (0, 0)>
#map1 = affine_map<(d0, d1) -> (0)>
#map2 = affine_map<(d0, d1) -> (0, 0, 0)>
module attributes {stable_mosaic.version = 14 : i64} {
  func.func @run(%arg0: i32, %arg1: i32, %arg2: memref<10000x128xf32, #tpu.memory_space<hbm>>, %arg3: memref<320000xi32, #tpu.memory_space<hbm>>, %arg4: memref<320000xi32, #tpu.memory_space<hbm>>, %arg5: memref<640x128xf32, #tpu.memory_space<hbm>>, %arg6: memref<2x10240x128xf32, #tpu.memory_space<hbm>>, %arg7: memref<128xi32, #tpu.memory_space<vmem>>, %arg8: memref<128xi32, #tpu.memory_space<vmem>>, %arg9: memref<128xi32, #tpu.memory_space<vmem>>, %arg10: memref<128xi32, #tpu.memory_space<vmem>>, %arg11: memref<128x128xf32, #tpu.memory_space<vmem>>, %arg12: memref<128x128xf32, #tpu.memory_space<vmem>>, %arg13: memref<10240x128xf32, #tpu.memory_space<vmem_shared>>, %arg14: memref<!tpu.dma_semaphore, #tpu.memory_space<semaphore_mem>>, %arg15: memref<!tpu.dma_semaphore, #tpu.memory_space<semaphore_mem>>, %arg16: memref<!tpu.dma_semaphore, #tpu.memory_space<semaphore_mem>>, %arg17: memref<!tpu.dma_semaphore, #tpu.memory_space<semaphore_mem>>, %arg18: memref<!tpu.dma_semaphore, #tpu.memory_space<semaphore_mem>>, %arg19: memref<!tpu.dma_semaphore, #tpu.memory_space<semaphore_mem>>, %arg20: memref<!tpu.dma_semaphore, #tpu.memory_space<semaphore_mem>>, %arg21: memref<!tpu.dma_semaphore, #tpu.memory_space<semaphore_mem>>) attributes {dimension_semantics = [#tpu.dimension_semantics<core_parallel>, #tpu.dimension_semantics<subcore_parallel>], iteration_bounds = array<i64: 2, 16>, scalar_prefetch = 0 : i64, scratch_operands = 15 : i64, tpu.core_type = #tpu.core_type<sc_vector_subcore>, window_params = [{transform_indices = #map}, {transform_indices = #map1}, {transform_indices = #map1}, {transform_indices = #map}, {transform_indices = #map2}]} {
    %mul3A = arith.constant 16 : i32
    %mul3A_0 = arith.muli %arg0, %mul3A : i32
    %add3A = arith.addi %mul3A_0, %arg1 : i32
    %mul3A_1 = arith.constant 640 : i32
    %mul3A_2 = arith.muli %arg1, %mul3A_1 : i32
    "tpu.region"() ({
      %run_scoped3A = tpu.sem_alloc : memref<!tpu.dma_semaphore, #tpu.memory_space<semaphore_mem>>
      %dma_start3A = arith.constant 0 : i32
      %dma_start3A_26 = tpu.memref_slice %arg13[%mul3A_2, %dma_start3A] : memref<10240x128xf32, #tpu.memory_space<vmem_shared>> -> memref<640x128xf32, #tpu.memory_space<vmem_shared>>
      tpu.enqueue_dma source(%arg5 : memref<640x128xf32, #tpu.memory_space<hbm>>) target(%dma_start3A_26 : memref<640x128xf32, #tpu.memory_space<vmem_shared>>) target_semaphore(%run_scoped3A : memref<!tpu.dma_semaphore, #tpu.memory_space<semaphore_mem>>)
      %dma_wait3A = arith.constant 0 : i32
      %dma_wait3A_27 = tpu.memref_slice %arg13[%mul3A_2, %dma_wait3A] : memref<10240x128xf32, #tpu.memory_space<vmem_shared>> -> memref<640x128xf32, #tpu.memory_space<vmem_shared>>
      tpu.wait_dma2 semaphore(%run_scoped3A : memref<!tpu.dma_semaphore, #tpu.memory_space<semaphore_mem>>) src(%arg5 : memref<640x128xf32, #tpu.memory_space<hbm>>) dst(%dma_wait3A_27 : memref<640x128xf32, #tpu.memory_space<vmem_shared>>)
      tpu.yield
    }) : () -> ()
    %barrier3A = arith.constant 0 : index
    tpu.barrier barrier_id(%barrier3A)
    %add3A_3 = arith.constant 0 : i32
    %add3A_4 = arith.addi %add3A_3, %add3A : i32
    %lt3A = arith.constant 2500 : i32
    %lt3A_5 = arith.cmpi slt, %add3A_4, %lt3A : i32
    %convert_element_type3A = arith.extui %lt3A_5 : i1 to i32
    %cond3A = arith.constant 0 : i32
    %cond3A_6 = arith.cmpi ne, %convert_element_type3A, %cond3A : i32
    scf.if %cond3A_6 {
      %mul3A_26 = arith.constant 128 : i32
      %mul3A_27 = arith.muli %add3A_4, %mul3A_26 : i32
      %dma_start3A = tpu.memref_slice %arg3[%mul3A_27] : memref<320000xi32, #tpu.memory_space<hbm>> -> memref<128xi32, #tpu.memory_space<hbm>>
      %dma_start3A_28 = tpu.memref_slice %arg3[%mul3A_27] : memref<320000xi32, #tpu.memory_space<hbm>> -> memref<128xi32, #tpu.memory_space<hbm>>
      tpu.enqueue_dma source(%dma_start3A_28 : memref<128xi32, #tpu.memory_space<hbm>>) target(%arg7 : memref<128xi32, #tpu.memory_space<vmem>>) target_semaphore(%arg14 : memref<!tpu.dma_semaphore, #tpu.memory_space<semaphore_mem>>)
      %dma_start3A_29 = tpu.memref_slice %arg4[%mul3A_27] : memref<320000xi32, #tpu.memory_space<hbm>> -> memref<128xi32, #tpu.memory_space<hbm>>
      %dma_start3A_30 = tpu.memref_slice %arg4[%mul3A_27] : memref<320000xi32, #tpu.memory_space<hbm>> -> memref<128xi32, #tpu.memory_space<hbm>>
      tpu.enqueue_dma source(%dma_start3A_30 : memref<128xi32, #tpu.memory_space<hbm>>) target(%arg8 : memref<128xi32, #tpu.memory_space<vmem>>) target_semaphore(%arg15 : memref<!tpu.dma_semaphore, #tpu.memory_space<semaphore_mem>>)
    } else {
    }
    %add3A_7 = arith.constant 32 : i32
    %add3A_8 = arith.addi %add3A_7, %add3A : i32
    %lt3A_9 = arith.constant 2500 : i32
    %lt3A_10 = arith.cmpi slt, %add3A_8, %lt3A_9 : i32
    %convert_element_type3A_11 = arith.extui %lt3A_10 : i1 to i32
    %cond3A_12 = arith.constant 0 : i32
    %cond3A_13 = arith.cmpi ne, %convert_element_type3A_11, %cond3A_12 : i32
    scf.if %cond3A_13 {
      %mul3A_26 = arith.constant 128 : i32
      %mul3A_27 = arith.muli %add3A_8, %mul3A_26 : i32
      %dma_start3A = tpu.memref_slice %arg3[%mul3A_27] : memref<320000xi32, #tpu.memory_space<hbm>> -> memref<128xi32, #tpu.memory_space<hbm>>
      %dma_start3A_28 = tpu.memref_slice %arg3[%mul3A_27] : memref<320000xi32, #tpu.memory_space<hbm>> -> memref<128xi32, #tpu.memory_space<hbm>>
      tpu.enqueue_dma source(%dma_start3A_28 : memref<128xi32, #tpu.memory_space<hbm>>) target(%arg9 : memref<128xi32, #tpu.memory_space<vmem>>) target_semaphore(%arg16 : memref<!tpu.dma_semaphore, #tpu.memory_space<semaphore_mem>>)
      %dma_start3A_29 = tpu.memref_slice %arg4[%mul3A_27] : memref<320000xi32, #tpu.memory_space<hbm>> -> memref<128xi32, #tpu.memory_space<hbm>>
      %dma_start3A_30 = tpu.memref_slice %arg4[%mul3A_27] : memref<320000xi32, #tpu.memory_space<hbm>> -> memref<128xi32, #tpu.memory_space<hbm>>
      tpu.enqueue_dma source(%dma_start3A_30 : memref<128xi32, #tpu.memory_space<hbm>>) target(%arg10 : memref<128xi32, #tpu.memory_space<vmem>>) target_semaphore(%arg17 : memref<!tpu.dma_semaphore, #tpu.memory_space<semaphore_mem>>)
    } else {
    }
    %add3A_14 = arith.constant 0 : i32
    %add3A_15 = arith.addi %add3A_14, %add3A : i32
    %lt3A_16 = arith.constant 2500 : i32
    %lt3A_17 = arith.cmpi slt, %add3A_15, %lt3A_16 : i32
    %convert_element_type3A_18 = arith.extui %lt3A_17 : i1 to i32
    %cond3A_19 = arith.constant 0 : i32
    %cond3A_20 = arith.cmpi ne, %convert_element_type3A_18, %cond3A_19 : i32
    scf.if %cond3A_20 {
      %mul3A_26 = arith.constant 128 : i32
      %mul3A_27 = arith.muli %add3A_15, %mul3A_26 : i32
      %dma_wait3A = tpu.memref_slice %arg3[%mul3A_27] : memref<320000xi32, #tpu.memory_space<hbm>> -> memref<128xi32, #tpu.memory_space<hbm>>
      %dma_wait3A_28 = tpu.memref_slice %arg3[%mul3A_27] : memref<320000xi32, #tpu.memory_space<hbm>> -> memref<128xi32, #tpu.memory_space<hbm>>
      tpu.wait_dma2 semaphore(%arg14 : memref<!tpu.dma_semaphore, #tpu.memory_space<semaphore_mem>>) src(%dma_wait3A_28 : memref<128xi32, #tpu.memory_space<hbm>>) dst(%arg7 : memref<128xi32, #tpu.memory_space<vmem>>)
      %dma_wait3A_29 = tpu.memref_slice %arg4[%mul3A_27] : memref<320000xi32, #tpu.memory_space<hbm>> -> memref<128xi32, #tpu.memory_space<hbm>>
      %dma_wait3A_30 = tpu.memref_slice %arg4[%mul3A_27] : memref<320000xi32, #tpu.memory_space<hbm>> -> memref<128xi32, #tpu.memory_space<hbm>>
      tpu.wait_dma2 semaphore(%arg15 : memref<!tpu.dma_semaphore, #tpu.memory_space<semaphore_mem>>) src(%dma_wait3A_30 : memref<128xi32, #tpu.memory_space<hbm>>) dst(%arg8 : memref<128xi32, #tpu.memory_space<vmem>>)
      %dma_start3A = arith.constant 0 : i32
      %dma_start3A_31 = arith.constant 0 : i32
      %dma_start3A_32 = tpu.memref_slice %arg2[%dma_start3A, %dma_start3A_31] : memref<10000x128xf32, #tpu.memory_space<hbm>> -> memref<10000x128xf32, #tpu.memory_space<hbm>>
      tpu.enqueue_indirect_dma source(%dma_start3A_32 : memref<10000x128xf32, #tpu.memory_space<hbm>>) target(%arg11 : memref<128x128xf32, #tpu.memory_space<vmem>>) offsets(%arg7 : memref<128xi32, #tpu.memory_space<vmem>>) semaphore(%arg18 : memref<!tpu.dma_semaphore, #tpu.memory_space<semaphore_mem>>)
    } else {
    }
    %scan3A = arith.constant 0 : i32
    %scan3A_21 = arith.constant 40 : i32
    %scan3A_22 = arith.addi %scan3A, %scan3A_21 : i32
    %scan3A_23 = arith.constant 1 : i32
    scf.for %scan3A_26 = %scan3A to %scan3A_22 step %scan3A_23  : i32 {
      %mul3A_27 = arith.constant 2 : i32
      %mul3A_28 = arith.muli %scan3A_26, %mul3A_27 : i32
      %add3A_29 = arith.constant 0 : i32
      %add3A_30 = arith.addi %add3A_29, %mul3A_28 : i32
      %add3A_31 = arith.constant 1 : i32
      %add3A_32 = arith.addi %add3A_30, %add3A_31 : i32
      %mul3A_33 = arith.constant 32 : i32
      %mul3A_34 = arith.muli %add3A_32, %mul3A_33 : i32
      %add3A_35 = arith.addi %mul3A_34, %add3A : i32
      %lt3A_36 = arith.constant 2500 : i32
      %lt3A_37 = arith.cmpi slt, %add3A_35, %lt3A_36 : i32
      %convert_element_type3A_38 = arith.extui %lt3A_37 : i1 to i32
      %cond3A_39 = arith.constant 0 : i32
      %cond3A_40 = arith.cmpi ne, %convert_element_type3A_38, %cond3A_39 : i32
      scf.if %cond3A_40 {
        %mul3A_89 = arith.constant 128 : i32
        %mul3A_90 = arith.muli %add3A_35, %mul3A_89 : i32
        %dma_wait3A = tpu.memref_slice %arg3[%mul3A_90] : memref<320000xi32, #tpu.memory_space<hbm>> -> memref<128xi32, #tpu.memory_space<hbm>>
        %dma_wait3A_91 = tpu.memref_slice %arg3[%mul3A_90] : memref<320000xi32, #tpu.memory_space<hbm>> -> memref<128xi32, #tpu.memory_space<hbm>>
        tpu.wait_dma2 semaphore(%arg16 : memref<!tpu.dma_semaphore, #tpu.memory_space<semaphore_mem>>) src(%dma_wait3A_91 : memref<128xi32, #tpu.memory_space<hbm>>) dst(%arg9 : memref<128xi32, #tpu.memory_space<vmem>>)
        %dma_wait3A_92 = tpu.memref_slice %arg4[%mul3A_90] : memref<320000xi32, #tpu.memory_space<hbm>> -> memref<128xi32, #tpu.memory_space<hbm>>
        %dma_wait3A_93 = tpu.memref_slice %arg4[%mul3A_90] : memref<320000xi32, #tpu.memory_space<hbm>> -> memref<128xi32, #tpu.memory_space<hbm>>
        tpu.wait_dma2 semaphore(%arg17 : memref<!tpu.dma_semaphore, #tpu.memory_space<semaphore_mem>>) src(%dma_wait3A_93 : memref<128xi32, #tpu.memory_space<hbm>>) dst(%arg10 : memref<128xi32, #tpu.memory_space<vmem>>)
        %dma_start3A = arith.constant 0 : i32
        %dma_start3A_94 = arith.constant 0 : i32
        %dma_start3A_95 = tpu.memref_slice %arg2[%dma_start3A, %dma_start3A_94] : memref<10000x128xf32, #tpu.memory_space<hbm>> -> memref<10000x128xf32, #tpu.memory_space<hbm>>
        tpu.enqueue_indirect_dma source(%dma_start3A_95 : memref<10000x128xf32, #tpu.memory_space<hbm>>) target(%arg12 : memref<128x128xf32, #tpu.memory_space<vmem>>) offsets(%arg9 : memref<128xi32, #tpu.memory_space<vmem>>) semaphore(%arg19 : memref<!tpu.dma_semaphore, #tpu.memory_space<semaphore_mem>>)
      } else {
      }
      %mul3A_41 = arith.constant 32 : i32
      %mul3A_42 = arith.muli %add3A_30, %mul3A_41 : i32
      %add3A_43 = arith.addi %mul3A_42, %add3A : i32
      %lt3A_44 = arith.constant 2500 : i32
      %lt3A_45 = arith.cmpi slt, %add3A_43, %lt3A_44 : i32
      %convert_element_type3A_46 = arith.extui %lt3A_45 : i1 to i32
      %cond3A_47 = arith.constant 0 : i32
      %cond3A_48 = arith.cmpi ne, %convert_element_type3A_46, %cond3A_47 : i32
      scf.if %cond3A_48 {
        %dma_wait3A = arith.constant 0 : i32
        %dma_wait3A_89 = arith.constant 0 : i32
        %dma_wait3A_90 = tpu.memref_slice %arg2[%dma_wait3A, %dma_wait3A_89] : memref<10000x128xf32, #tpu.memory_space<hbm>> -> memref<10000x128xf32, #tpu.memory_space<hbm>>
        tpu.wait_indirect_dma semaphore(%arg18 : memref<!tpu.dma_semaphore, #tpu.memory_space<semaphore_mem>>) src(%dma_wait3A_90 : memref<10000x128xf32, #tpu.memory_space<hbm>>) dst(%arg11 : memref<128x128xf32, #tpu.memory_space<vmem>>)
        "tpu.region"() ({
          %run_scoped3A = tpu.sem_alloc : memref<!tpu.dma_semaphore, #tpu.memory_space<semaphore_mem>>
          %dma_start3A = arith.constant 0 : i32
          %dma_start3A_91 = arith.constant 0 : i32
          %dma_start3A_92 = tpu.memref_slice %arg13[%dma_start3A, %dma_start3A_91] : memref<10240x128xf32, #tpu.memory_space<vmem_shared>> -> memref<10240x128xf32, #tpu.memory_space<vmem_shared>>
          tpu.enqueue_indirect_dma source(%arg11 : memref<128x128xf32, #tpu.memory_space<vmem>>) target(%dma_start3A_92 : memref<10240x128xf32, #tpu.memory_space<vmem_shared>>) offsets(%arg8 : memref<128xi32, #tpu.memory_space<vmem>>) semaphore(%run_scoped3A : memref<!tpu.dma_semaphore, #tpu.memory_space<semaphore_mem>>) {add = true}
          %dma_wait3A_93 = arith.constant 0 : i32
          %dma_wait3A_94 = arith.constant 0 : i32
          %dma_wait3A_95 = tpu.memref_slice %arg13[%dma_wait3A_93, %dma_wait3A_94] : memref<10240x128xf32, #tpu.memory_space<vmem_shared>> -> memref<10240x128xf32, #tpu.memory_space<vmem_shared>>
          tpu.wait_indirect_dma semaphore(%run_scoped3A : memref<!tpu.dma_semaphore, #tpu.memory_space<semaphore_mem>>) src(%arg11 : memref<128x128xf32, #tpu.memory_space<vmem>>) dst(%dma_wait3A_95 : memref<10240x128xf32, #tpu.memory_space<vmem_shared>>)
          tpu.yield
        }) : () -> ()
      } else {
      }
      %add3A_49 = arith.constant 2 : i32
      %add3A_50 = arith.addi %add3A_30, %add3A_49 : i32
      %mul3A_51 = arith.constant 32 : i32
      %mul3A_52 = arith.muli %add3A_50, %mul3A_51 : i32
      %add3A_53 = arith.addi %mul3A_52, %add3A : i32
      %lt3A_54 = arith.constant 2500 : i32
      %lt3A_55 = arith.cmpi slt, %add3A_53, %lt3A_54 : i32
      %convert_element_type3A_56 = arith.extui %lt3A_55 : i1 to i32
      %cond3A_57 = arith.constant 0 : i32
      %cond3A_58 = arith.cmpi ne, %convert_element_type3A_56, %cond3A_57 : i32
      scf.if %cond3A_58 {
        %mul3A_89 = arith.constant 128 : i32
        %mul3A_90 = arith.muli %add3A_53, %mul3A_89 : i32
        %dma_start3A = tpu.memref_slice %arg3[%mul3A_90] : memref<320000xi32, #tpu.memory_space<hbm>> -> memref<128xi32, #tpu.memory_space<hbm>>
        %dma_start3A_91 = tpu.memref_slice %arg3[%mul3A_90] : memref<320000xi32, #tpu.memory_space<hbm>> -> memref<128xi32, #tpu.memory_space<hbm>>
        tpu.enqueue_dma source(%dma_start3A_91 : memref<128xi32, #tpu.memory_space<hbm>>) target(%arg7 : memref<128xi32, #tpu.memory_space<vmem>>) target_semaphore(%arg14 : memref<!tpu.dma_semaphore, #tpu.memory_space<semaphore_mem>>)
        %dma_start3A_92 = tpu.memref_slice %arg4[%mul3A_90] : memref<320000xi32, #tpu.memory_space<hbm>> -> memref<128xi32, #tpu.memory_space<hbm>>
        %dma_start3A_93 = tpu.memref_slice %arg4[%mul3A_90] : memref<320000xi32, #tpu.memory_space<hbm>> -> memref<128xi32, #tpu.memory_space<hbm>>
        tpu.enqueue_dma source(%dma_start3A_93 : memref<128xi32, #tpu.memory_space<hbm>>) target(%arg8 : memref<128xi32, #tpu.memory_space<vmem>>) target_semaphore(%arg15 : memref<!tpu.dma_semaphore, #tpu.memory_space<semaphore_mem>>)
      } else {
      }
      %add3A_59 = arith.constant 2 : i32
      %add3A_60 = arith.addi %add3A_30, %add3A_59 : i32
      %mul3A_61 = arith.constant 32 : i32
      %mul3A_62 = arith.muli %add3A_60, %mul3A_61 : i32
      %add3A_63 = arith.addi %mul3A_62, %add3A : i32
      %lt3A_64 = arith.constant 2500 : i32
      %lt3A_65 = arith.cmpi slt, %add3A_63, %lt3A_64 : i32
      %convert_element_type3A_66 = arith.extui %lt3A_65 : i1 to i32
      %cond3A_67 = arith.constant 0 : i32
      %cond3A_68 = arith.cmpi ne, %convert_element_type3A_66, %cond3A_67 : i32
      scf.if %cond3A_68 {
        %mul3A_89 = arith.constant 128 : i32
        %mul3A_90 = arith.muli %add3A_63, %mul3A_89 : i32
        %dma_wait3A = tpu.memref_slice %arg3[%mul3A_90] : memref<320000xi32, #tpu.memory_space<hbm>> -> memref<128xi32, #tpu.memory_space<hbm>>
        %dma_wait3A_91 = tpu.memref_slice %arg3[%mul3A_90] : memref<320000xi32, #tpu.memory_space<hbm>> -> memref<128xi32, #tpu.memory_space<hbm>>
        tpu.wait_dma2 semaphore(%arg14 : memref<!tpu.dma_semaphore, #tpu.memory_space<semaphore_mem>>) src(%dma_wait3A_91 : memref<128xi32, #tpu.memory_space<hbm>>) dst(%arg7 : memref<128xi32, #tpu.memory_space<vmem>>)
        %dma_wait3A_92 = tpu.memref_slice %arg4[%mul3A_90] : memref<320000xi32, #tpu.memory_space<hbm>> -> memref<128xi32, #tpu.memory_space<hbm>>
        %dma_wait3A_93 = tpu.memref_slice %arg4[%mul3A_90] : memref<320000xi32, #tpu.memory_space<hbm>> -> memref<128xi32, #tpu.memory_space<hbm>>
        tpu.wait_dma2 semaphore(%arg15 : memref<!tpu.dma_semaphore, #tpu.memory_space<semaphore_mem>>) src(%dma_wait3A_93 : memref<128xi32, #tpu.memory_space<hbm>>) dst(%arg8 : memref<128xi32, #tpu.memory_space<vmem>>)
        %dma_start3A = arith.constant 0 : i32
        %dma_start3A_94 = arith.constant 0 : i32
        %dma_start3A_95 = tpu.memref_slice %arg2[%dma_start3A, %dma_start3A_94] : memref<10000x128xf32, #tpu.memory_space<hbm>> -> memref<10000x128xf32, #tpu.memory_space<hbm>>
        tpu.enqueue_indirect_dma source(%dma_start3A_95 : memref<10000x128xf32, #tpu.memory_space<hbm>>) target(%arg11 : memref<128x128xf32, #tpu.memory_space<vmem>>) offsets(%arg7 : memref<128xi32, #tpu.memory_space<vmem>>) semaphore(%arg18 : memref<!tpu.dma_semaphore, #tpu.memory_space<semaphore_mem>>)
      } else {
      }
      %add3A_69 = arith.constant 1 : i32
      %add3A_70 = arith.addi %add3A_30, %add3A_69 : i32
      %mul3A_71 = arith.constant 32 : i32
      %mul3A_72 = arith.muli %add3A_70, %mul3A_71 : i32
      %add3A_73 = arith.addi %mul3A_72, %add3A : i32
      %lt3A_74 = arith.constant 2500 : i32
      %lt3A_75 = arith.cmpi slt, %add3A_73, %lt3A_74 : i32
      %convert_element_type3A_76 = arith.extui %lt3A_75 : i1 to i32
      %cond3A_77 = arith.constant 0 : i32
      %cond3A_78 = arith.cmpi ne, %convert_element_type3A_76, %cond3A_77 : i32
      scf.if %cond3A_78 {
        %dma_wait3A = arith.constant 0 : i32
        %dma_wait3A_89 = arith.constant 0 : i32
        %dma_wait3A_90 = tpu.memref_slice %arg2[%dma_wait3A, %dma_wait3A_89] : memref<10000x128xf32, #tpu.memory_space<hbm>> -> memref<10000x128xf32, #tpu.memory_space<hbm>>
        tpu.wait_indirect_dma semaphore(%arg19 : memref<!tpu.dma_semaphore, #tpu.memory_space<semaphore_mem>>) src(%dma_wait3A_90 : memref<10000x128xf32, #tpu.memory_space<hbm>>) dst(%arg12 : memref<128x128xf32, #tpu.memory_space<vmem>>)
        "tpu.region"() ({
          %run_scoped3A = tpu.sem_alloc : memref<!tpu.dma_semaphore, #tpu.memory_space<semaphore_mem>>
          %dma_start3A = arith.constant 0 : i32
          %dma_start3A_91 = arith.constant 0 : i32
          %dma_start3A_92 = tpu.memref_slice %arg13[%dma_start3A, %dma_start3A_91] : memref<10240x128xf32, #tpu.memory_space<vmem_shared>> -> memref<10240x128xf32, #tpu.memory_space<vmem_shared>>
          tpu.enqueue_indirect_dma source(%arg12 : memref<128x128xf32, #tpu.memory_space<vmem>>) target(%dma_start3A_92 : memref<10240x128xf32, #tpu.memory_space<vmem_shared>>) offsets(%arg10 : memref<128xi32, #tpu.memory_space<vmem>>) semaphore(%run_scoped3A : memref<!tpu.dma_semaphore, #tpu.memory_space<semaphore_mem>>) {add = true}
          %dma_wait3A_93 = arith.constant 0 : i32
          %dma_wait3A_94 = arith.constant 0 : i32
          %dma_wait3A_95 = tpu.memref_slice %arg13[%dma_wait3A_93, %dma_wait3A_94] : memref<10240x128xf32, #tpu.memory_space<vmem_shared>> -> memref<10240x128xf32, #tpu.memory_space<vmem_shared>>
          tpu.wait_indirect_dma semaphore(%run_scoped3A : memref<!tpu.dma_semaphore, #tpu.memory_space<semaphore_mem>>) src(%arg12 : memref<128x128xf32, #tpu.memory_space<vmem>>) dst(%dma_wait3A_95 : memref<10240x128xf32, #tpu.memory_space<vmem_shared>>)
          tpu.yield
        }) : () -> ()
      } else {
      }
      %add3A_79 = arith.constant 3 : i32
      %add3A_80 = arith.addi %add3A_30, %add3A_79 : i32
      %mul3A_81 = arith.constant 32 : i32
      %mul3A_82 = arith.muli %add3A_80, %mul3A_81 : i32
      %add3A_83 = arith.addi %mul3A_82, %add3A : i32
      %lt3A_84 = arith.constant 2500 : i32
      %lt3A_85 = arith.cmpi slt, %add3A_83, %lt3A_84 : i32
      %convert_element_type3A_86 = arith.extui %lt3A_85 : i1 to i32
      %cond3A_87 = arith.constant 0 : i32
      %cond3A_88 = arith.cmpi ne, %convert_element_type3A_86, %cond3A_87 : i32
      scf.if %cond3A_88 {
        %mul3A_89 = arith.constant 128 : i32
        %mul3A_90 = arith.muli %add3A_83, %mul3A_89 : i32
        %dma_start3A = tpu.memref_slice %arg3[%mul3A_90] : memref<320000xi32, #tpu.memory_space<hbm>> -> memref<128xi32, #tpu.memory_space<hbm>>
        %dma_start3A_91 = tpu.memref_slice %arg3[%mul3A_90] : memref<320000xi32, #tpu.memory_space<hbm>> -> memref<128xi32, #tpu.memory_space<hbm>>
        tpu.enqueue_dma source(%dma_start3A_91 : memref<128xi32, #tpu.memory_space<hbm>>) target(%arg9 : memref<128xi32, #tpu.memory_space<vmem>>) target_semaphore(%arg16 : memref<!tpu.dma_semaphore, #tpu.memory_space<semaphore_mem>>)
        %dma_start3A_92 = tpu.memref_slice %arg4[%mul3A_90] : memref<320000xi32, #tpu.memory_space<hbm>> -> memref<128xi32, #tpu.memory_space<hbm>>
        %dma_start3A_93 = tpu.memref_slice %arg4[%mul3A_90] : memref<320000xi32, #tpu.memory_space<hbm>> -> memref<128xi32, #tpu.memory_space<hbm>>
        tpu.enqueue_dma source(%dma_start3A_93 : memref<128xi32, #tpu.memory_space<hbm>>) target(%arg10 : memref<128xi32, #tpu.memory_space<vmem>>) target_semaphore(%arg17 : memref<!tpu.dma_semaphore, #tpu.memory_space<semaphore_mem>>)
      } else {
      }
    }
    %scan3A_24 = arith.constant 40 : i32
    %barrier3A_25 = arith.constant 0 : index
    tpu.barrier barrier_id(%barrier3A_25)
    "tpu.region"() ({
      %run_scoped3A = tpu.sem_alloc : memref<!tpu.dma_semaphore, #tpu.memory_space<semaphore_mem>>
      %dma_start3A = arith.constant 0 : i32
      %dma_start3A_26 = tpu.memref_slice %arg6[%arg0, %mul3A_2, %dma_start3A] : memref<2x10240x128xf32, #tpu.memory_space<hbm>> -> memref<1x640x128xf32, #tpu.memory_space<hbm>>
      %dma_start3A_27 = tpu.memref_squeeze %dma_start3A_26 : memref<1x640x128xf32, #tpu.memory_space<hbm>> -> memref<640x128xf32, #tpu.memory_space<hbm>>
      %dma_start3A_28 = arith.constant 0 : i32
      %dma_start3A_29 = tpu.memref_slice %arg13[%mul3A_2, %dma_start3A_28] : memref<10240x128xf32, #tpu.memory_space<vmem_shared>> -> memref<640x128xf32, #tpu.memory_space<vmem_shared>>
      tpu.enqueue_dma source(%dma_start3A_29 : memref<640x128xf32, #tpu.memory_space<vmem_shared>>) target(%dma_start3A_27 : memref<640x128xf32, #tpu.memory_space<hbm>>) target_semaphore(%run_scoped3A : memref<!tpu.dma_semaphore, #tpu.memory_space<semaphore_mem>>)
      %dma_wait3A = arith.constant 0 : i32
      %dma_wait3A_30 = tpu.memref_slice %arg6[%arg0, %mul3A_2, %dma_wait3A] : memref<2x10240x128xf32, #tpu.memory_space<hbm>> -> memref<1x640x128xf32, #tpu.memory_space<hbm>>
      %dma_wait3A_31 = tpu.memref_squeeze %dma_wait3A_30 : memref<1x640x128xf32, #tpu.memory_space<hbm>> -> memref<640x128xf32, #tpu.memory_space<hbm>>
      %dma_wait3A_32 = arith.constant 0 : i32
      %dma_wait3A_33 = tpu.memref_slice %arg13[%mul3A_2, %dma_wait3A_32] : memref<10240x128xf32, #tpu.memory_space<vmem_shared>> -> memref<640x128xf32, #tpu.memory_space<vmem_shared>>
      tpu.wait_dma2 semaphore(%run_scoped3A : memref<!tpu.dma_semaphore, #tpu.memory_space<semaphore_mem>>) src(%dma_wait3A_33 : memref<640x128xf32, #tpu.memory_space<vmem_shared>>) dst(%dma_wait3A_31 : memref<640x128xf32, #tpu.memory_space<hbm>>)
      tpu.yield
    }) : () -> ()
    return
  }
}

module attributes {stable_mosaic.version = 14 : i64} {
  func.func @_tc_y1_body(%arg0: i32, %arg1: memref<2000x128xf32, #tpu.memory_space<vmem>>, %arg2: memref<128x128xf32, #tpu.memory_space<vmem>>, %arg3: memref<2000x1xf32, #tpu.memory_space<vmem>>, %arg4: memref<2000x1xf32, #tpu.memory_space<vmem>>, %arg5: memref<2000x128xf32, #tpu.memory_space<vmem>>) attributes {dimension_semantics = [#tpu.dimension_semantics<arbitrary>], iteration_bounds = array<i64: 5>, scalar_prefetch = 0 : i64, scratch_operands = 0 : i64, tpu.core_type = #tpu.core_type<tc>, window_params = [{transform_indices = @transform_0, window_bounds = array<i64: 2000, 128>}, {pipeline_mode = #tpu.pipeline_mode<synchronous>, transform_indices = @transform_1, window_bounds = array<i64: 128, 128>}, {transform_indices = @transform_2, window_bounds = array<i64: 2000, 1>}, {transform_indices = @transform_3, window_bounds = array<i64: 2000, 1>}, {transform_indices = @transform_4, window_bounds = array<i64: 2000, 128>}]} {
    %get3A = arith.constant 0 : index
    %get3A_0 = arith.constant 0 : index
    %get3A_1 = vector.load %arg3[%get3A, %get3A_0] : memref<2000x1xf32, #tpu.memory_space<vmem>>, vector<2000x1xf32>
    %get3A_2 = arith.constant 0 : index
    %get3A_3 = arith.constant 0 : index
    %get3A_4 = vector.load %arg4[%get3A_2, %get3A_3] : memref<2000x1xf32, #tpu.memory_space<vmem>>, vector<2000x1xf32>
    %add3A = arith.addf %get3A_1, %get3A_4 : vector<2000x1xf32>
    %add3A_5 = arith.constant 1.000000e+00 : f32
    %add3A_6 = vector.broadcast %add3A_5 : f32 to vector<2000x1xf32>
    %add3A_7 = arith.addf %add3A, %add3A_6 : vector<2000x1xf32>
    %rsqrt3A = math.rsqrt %add3A_7 : vector<2000x1xf32>
    %get3A_8 = arith.constant 0 : index
    %get3A_9 = arith.constant 0 : index
    %get3A_10 = vector.load %arg1[%get3A_8, %get3A_9] : memref<2000x128xf32, #tpu.memory_space<vmem>>, vector<2000x128xf32>
    %get3A_11 = arith.constant 0 : index
    %get3A_12 = arith.constant 0 : index
    %get3A_13 = vector.load %arg2[%get3A_11, %get3A_12] : memref<128x128xf32, #tpu.memory_space<vmem>>, vector<128x128xf32>
    %dot_general3A = arith.constant dense<0.000000e+00> : vector<2000x128xf32>
    %dot_general3A_14 = tpu.matmul %get3A_10, %get3A_13, %dot_general3A {dimension_numbers = #tpu.dot_dimension_numbers<[1], [0], [0], [1], [0, 0, 1, 1], [], []>, transpose_lhs_hint = false} : vector<2000x128xf32>, vector<128x128xf32>, vector<2000x128xf32> -> vector<2000x128xf32>
    %mul3A = vector.broadcast %rsqrt3A : vector<2000x1xf32> to vector<2000x128xf32>
    %mul3A_15 = arith.mulf %dot_general3A_14, %mul3A : vector<2000x128xf32>
    %swap3A = arith.constant 0 : index
    %swap3A_16 = arith.constant 0 : index
    %swap3A_17 = vector.load %arg5[%swap3A, %swap3A_16] : memref<2000x128xf32, #tpu.memory_space<vmem>>, vector<2000x128xf32>
    tpu.vector_store %arg5[%swap3A, %swap3A_16], %mul3A_15 {strides = array<i32>} : memref<2000x128xf32, #tpu.memory_space<vmem>>, vector<2000x128xf32>,
    return
  }
  func.func @transform_0(%arg0: i32) -> (i32, i32) {
    %c0_i32 = arith.constant 0 : i32
    %c0_i32_0 = arith.constant 0 : i32
    return %arg0, %c0_i32 : i32, i32
  }
  func.func @transform_1(%arg0: i32) -> (i32, i32) {
    %c0_i32 = arith.constant 0 : i32
    %c0_i32_0 = arith.constant 0 : i32
    %c0_i32_1 = arith.constant 0 : i32
    return %c0_i32, %c0_i32_0 : i32, i32
  }
  func.func @transform_2(%arg0: i32) -> (i32, i32) {
    %c0_i32 = arith.constant 0 : i32
    %c0_i32_0 = arith.constant 0 : i32
    return %arg0, %c0_i32 : i32, i32
  }
  func.func @transform_3(%arg0: i32) -> (i32, i32) {
    %c0_i32 = arith.constant 0 : i32
    %c0_i32_0 = arith.constant 0 : i32
    return %arg0, %c0_i32 : i32, i32
  }
  func.func @transform_4(%arg0: i32) -> (i32, i32) {
    %c0_i32 = arith.constant 0 : i32
    %c0_i32_0 = arith.constant 0 : i32
    return %arg0, %c0_i32 : i32, i32
  }
}

module attributes {stable_mosaic.version = 14 : i64} {
  func.func @_tc_mid_body(%arg0: i32, %arg1: memref<1x2000x128xf32, #tpu.memory_space<vmem>>, %arg2: memref<1x2000x128xf32, #tpu.memory_space<vmem>>, %arg3: memref<2000x128xf32, #tpu.memory_space<vmem>>, %arg4: memref<2000x1xf32, #tpu.memory_space<vmem>>, %arg5: memref<2000x1xf32, #tpu.memory_space<vmem>>, %arg6: memref<1x2000x128xf32, #tpu.memory_space<vmem>>, %arg7: memref<1x2000x128xf32, #tpu.memory_space<vmem>>, %arg8: memref<2000x1xf32, #tpu.memory_space<vmem>>, %arg9: memref<2000x1xf32, #tpu.memory_space<vmem>>, %arg10: memref<2000x128xf32, #tpu.memory_space<vmem>>, %arg11: memref<128x128xf32, #tpu.memory_space<vmem>>, %arg12: memref<128x128xf32, #tpu.memory_space<vmem>>, %arg13: memref<128x128xf32, #tpu.memory_space<vmem>>, %arg14: memref<1x128xf32, #tpu.memory_space<vmem>>, %arg15: memref<1x128xf32, #tpu.memory_space<vmem>>, %arg16: memref<2000x128xf32, #tpu.memory_space<vmem>>) attributes {dimension_semantics = [#tpu.dimension_semantics<arbitrary>], iteration_bounds = array<i64: 5>, scalar_prefetch = 0 : i64, scratch_operands = 0 : i64, tpu.core_type = #tpu.core_type<tc>, window_params = [{transform_indices = @transform_0, window_bounds = array<i64: 1, 2000, 128>}, {transform_indices = @transform_1, window_bounds = array<i64: 1, 2000, 128>}, {transform_indices = @transform_2, window_bounds = array<i64: 2000, 128>}, {transform_indices = @transform_3, window_bounds = array<i64: 2000, 1>}, {transform_indices = @transform_4, window_bounds = array<i64: 2000, 1>}, {transform_indices = @transform_5, window_bounds = array<i64: 1, 2000, 128>}, {transform_indices = @transform_6, window_bounds = array<i64: 1, 2000, 128>}, {transform_indices = @transform_7, window_bounds = array<i64: 2000, 1>}, {transform_indices = @transform_8, window_bounds = array<i64: 2000, 1>}, {transform_indices = @transform_9, window_bounds = array<i64: 2000, 128>}, {pipeline_mode = #tpu.pipeline_mode<synchronous>, transform_indices = @transform_10, window_bounds = array<i64: 128, 128>}, {pipeline_mode = #tpu.pipeline_mode<synchronous>, transform_indices = @transform_11, window_bounds = array<i64: 128, 128>}, {pipeline_mode = #tpu.pipeline_mode<synchronous>, transform_indices = @transform_12, window_bounds = array<i64: 128, 128>}, {pipeline_mode = #tpu.pipeline_mode<synchronous>, transform_indices = @transform_13, window_bounds = array<i64: 1, 128>}, {pipeline_mode = #tpu.pipeline_mode<synchronous>, transform_indices = @transform_14, window_bounds = array<i64: 1, 128>}, {transform_indices = @transform_15, window_bounds = array<i64: 2000, 128>}]} {
    %get3A = arith.constant 0 : index
    %get3A_0 = arith.constant 0 : index
    %get3A_1 = vector.load %arg4[%get3A, %get3A_0] : memref<2000x1xf32, #tpu.memory_space<vmem>>, vector<2000x1xf32>
    %get3A_2 = arith.constant 0 : index
    %get3A_3 = arith.constant 0 : index
    %get3A_4 = vector.load %arg5[%get3A_2, %get3A_3] : memref<2000x1xf32, #tpu.memory_space<vmem>>, vector<2000x1xf32>
    %add3A = arith.addf %get3A_1, %get3A_4 : vector<2000x1xf32>
    %add3A_5 = arith.constant 1.000000e+00 : f32
    %add3A_6 = vector.broadcast %add3A_5 : f32 to vector<2000x1xf32>
    %add3A_7 = arith.addf %add3A, %add3A_6 : vector<2000x1xf32>
    %rsqrt3A = math.rsqrt %add3A_7 : vector<2000x1xf32>
    %get3A_8 = arith.constant 0 : index
    %get3A_9 = arith.constant 0 : index
    %get3A_10 = arith.constant 0 : index
    %get3A_11 = vector.load %arg1[%get3A_8, %get3A_9, %get3A_10] : memref<1x2000x128xf32, #tpu.memory_space<vmem>>, vector<1x2000x128xf32>
    %get3A_12 = vector.shape_cast %get3A_11 : vector<1x2000x128xf32> to vector<2000x128xf32>
    %get3A_13 = arith.constant 0 : index
    %get3A_14 = arith.constant 0 : index
    %get3A_15 = arith.constant 0 : index
    %get3A_16 = vector.load %arg2[%get3A_13, %get3A_14, %get3A_15] : memref<1x2000x128xf32, #tpu.memory_space<vmem>>, vector<1x2000x128xf32>
    %get3A_17 = vector.shape_cast %get3A_16 : vector<1x2000x128xf32> to vector<2000x128xf32>
    %add3A_18 = arith.addf %get3A_12, %get3A_17 : vector<2000x128xf32>
    %get3A_19 = arith.constant 0 : index
    %get3A_20 = arith.constant 0 : index
    %get3A_21 = vector.load %arg3[%get3A_19, %get3A_20] : memref<2000x128xf32, #tpu.memory_space<vmem>>, vector<2000x128xf32>
    %add3A_22 = arith.addf %add3A_18, %get3A_21 : vector<2000x128xf32>
    %mul3A = vector.broadcast %rsqrt3A : vector<2000x1xf32> to vector<2000x128xf32>
    %mul3A_23 = arith.mulf %add3A_22, %mul3A : vector<2000x128xf32>
    %get3A_24 = arith.constant 0 : index
    %get3A_25 = arith.constant 0 : index
    %get3A_26 = vector.load %arg14[%get3A_24, %get3A_25] : memref<1x128xf32, #tpu.memory_space<vmem>>, vector<1x128xf32>
    %add3A_27 = vector.broadcast %get3A_26 : vector<1x128xf32> to vector<2000x128xf32>
    %add3A_28 = arith.addf %mul3A_23, %add3A_27 : vector<2000x128xf32>
    %get3A_29 = arith.constant 0 : index
    %get3A_30 = arith.constant 0 : index
    %get3A_31 = arith.constant 0 : index
    %get3A_32 = vector.load %arg6[%get3A_29, %get3A_30, %get3A_31] : memref<1x2000x128xf32, #tpu.memory_space<vmem>>, vector<1x2000x128xf32>
    %get3A_33 = vector.shape_cast %get3A_32 : vector<1x2000x128xf32> to vector<2000x128xf32>
    %get3A_34 = arith.constant 0 : index
    %get3A_35 = arith.constant 0 : index
    %get3A_36 = arith.constant 0 : index
    %get3A_37 = vector.load %arg7[%get3A_34, %get3A_35, %get3A_36] : memref<1x2000x128xf32, #tpu.memory_space<vmem>>, vector<1x2000x128xf32>
    %get3A_38 = vector.shape_cast %get3A_37 : vector<1x2000x128xf32> to vector<2000x128xf32>
    %add3A_39 = arith.addf %get3A_33, %get3A_38 : vector<2000x128xf32>
    %get3A_40 = arith.constant 0 : index
    %get3A_41 = arith.constant 0 : index
    %get3A_42 = vector.load %arg8[%get3A_40, %get3A_41] : memref<2000x1xf32, #tpu.memory_space<vmem>>, vector<2000x1xf32>
    %get3A_43 = arith.constant 0 : index
    %get3A_44 = arith.constant 0 : index
    %get3A_45 = vector.load %arg9[%get3A_43, %get3A_44] : memref<2000x1xf32, #tpu.memory_space<vmem>>, vector<2000x1xf32>
    %add3A_46 = arith.addf %get3A_42, %get3A_45 : vector<2000x1xf32>
    %max3A = arith.constant 1.000000e+00 : f32
    %max3A_47 = vector.broadcast %max3A : f32 to vector<2000x1xf32>
    %max3A_48 = arith.maximumf %add3A_46, %max3A_47 : vector<2000x1xf32>
    %div3A = vector.broadcast %max3A_48 : vector<2000x1xf32> to vector<2000x128xf32>
    %div3A_49 = arith.divf %add3A_39, %div3A : vector<2000x128xf32>
    %get3A_50 = arith.constant 0 : index
    %get3A_51 = arith.constant 0 : index
    %get3A_52 = vector.load %arg11[%get3A_50, %get3A_51] : memref<128x128xf32, #tpu.memory_space<vmem>>, vector<128x128xf32>
    %dot_general3A = arith.constant dense<0.000000e+00> : vector<2000x128xf32>
    %dot_general3A_53 = tpu.matmul %div3A_49, %get3A_52, %dot_general3A {dimension_numbers = #tpu.dot_dimension_numbers<[1], [0], [0], [1], [0, 0, 1, 1], [], []>, transpose_lhs_hint = false} : vector<2000x128xf32>, vector<128x128xf32>, vector<2000x128xf32> -> vector<2000x128xf32>
    %get3A_54 = arith.constant 0 : index
    %get3A_55 = arith.constant 0 : index
    %get3A_56 = vector.load %arg10[%get3A_54, %get3A_55] : memref<2000x128xf32, #tpu.memory_space<vmem>>, vector<2000x128xf32>
    %get3A_57 = arith.constant 0 : index
    %get3A_58 = arith.constant 0 : index
    %get3A_59 = vector.load %arg12[%get3A_57, %get3A_58] : memref<128x128xf32, #tpu.memory_space<vmem>>, vector<128x128xf32>
    %dot_general3A_60 = arith.constant dense<0.000000e+00> : vector<2000x128xf32>
    %dot_general3A_61 = tpu.matmul %get3A_56, %get3A_59, %dot_general3A_60 {dimension_numbers = #tpu.dot_dimension_numbers<[1], [0], [0], [1], [0, 0, 1, 1], [], []>, transpose_lhs_hint = false} : vector<2000x128xf32>, vector<128x128xf32>, vector<2000x128xf32> -> vector<2000x128xf32>
    %add3A_62 = arith.addf %dot_general3A_53, %dot_general3A_61 : vector<2000x128xf32>
    %get3A_63 = arith.constant 0 : index
    %get3A_64 = arith.constant 0 : index
    %get3A_65 = vector.load %arg15[%get3A_63, %get3A_64] : memref<1x128xf32, #tpu.memory_space<vmem>>, vector<1x128xf32>
    %add3A_66 = vector.broadcast %get3A_65 : vector<1x128xf32> to vector<2000x128xf32>
    %add3A_67 = arith.addf %add3A_62, %add3A_66 : vector<2000x128xf32>
    %add3A_68 = arith.addf %add3A_28, %add3A_67 : vector<2000x128xf32>
    %max3A_69 = arith.constant 0.000000e+00 : f32
    %max3A_70 = vector.broadcast %max3A_69 : f32 to vector<2000x128xf32>
    %max3A_71 = arith.maximumf %add3A_68, %max3A_70 : vector<2000x128xf32>
    %get3A_72 = arith.constant 0 : index
    %get3A_73 = arith.constant 0 : index
    %get3A_74 = vector.load %arg13[%get3A_72, %get3A_73] : memref<128x128xf32, #tpu.memory_space<vmem>>, vector<128x128xf32>
    %dot_general3A_75 = arith.constant dense<0.000000e+00> : vector<2000x128xf32>
    %dot_general3A_76 = tpu.matmul %max3A_71, %get3A_74, %dot_general3A_75 {dimension_numbers = #tpu.dot_dimension_numbers<[1], [0], [0], [1], [0, 0, 1, 1], [], []>, transpose_lhs_hint = false} : vector<2000x128xf32>, vector<128x128xf32>, vector<2000x128xf32> -> vector<2000x128xf32>
    %mul3A_77 = vector.broadcast %rsqrt3A : vector<2000x1xf32> to vector<2000x128xf32>
    %mul3A_78 = arith.mulf %dot_general3A_76, %mul3A_77 : vector<2000x128xf32>
    %swap3A = arith.constant 0 : index
    %swap3A_79 = arith.constant 0 : index
    %swap3A_80 = vector.load %arg16[%swap3A, %swap3A_79] : memref<2000x128xf32, #tpu.memory_space<vmem>>, vector<2000x128xf32>
    tpu.vector_store %arg16[%swap3A, %swap3A_79], %mul3A_78 {strides = array<i32>} : memref<2000x128xf32, #tpu.memory_space<vmem>>, vector<2000x128xf32>,
    return
  }
  func.func @transform_0(%arg0: i32) -> (i32, i32, i32) {
    %c0_i32 = arith.constant 0 : i32
    %c0_i32_0 = arith.constant 0 : i32
    %c0_i32_1 = arith.constant 0 : i32
    return %c0_i32, %arg0, %c0_i32_0 : i32, i32, i32
  }
  func.func @transform_1(%arg0: i32) -> (i32, i32, i32) {
    %c1_i32 = arith.constant 1 : i32
    %c0_i32 = arith.constant 0 : i32
    %c0_i32_0 = arith.constant 0 : i32
    return %c1_i32, %arg0, %c0_i32 : i32, i32, i32
  }
  func.func @transform_2(%arg0: i32) -> (i32, i32) {
    %c0_i32 = arith.constant 0 : i32
    %c0_i32_0 = arith.constant 0 : i32
    return %arg0, %c0_i32 : i32, i32
  }
  func.func @transform_3(%arg0: i32) -> (i32, i32) {
    %c0_i32 = arith.constant 0 : i32
    %c0_i32_0 = arith.constant 0 : i32
    return %arg0, %c0_i32 : i32, i32
  }
  func.func @transform_4(%arg0: i32) -> (i32, i32) {
    %c0_i32 = arith.constant 0 : i32
    %c0_i32_0 = arith.constant 0 : i32
    return %arg0, %c0_i32 : i32, i32
  }
  func.func @transform_5(%arg0: i32) -> (i32, i32, i32) {
    %c0_i32 = arith.constant 0 : i32
    %c0_i32_0 = arith.constant 0 : i32
    %c0_i32_1 = arith.constant 0 : i32
    return %c0_i32, %arg0, %c0_i32_0 : i32, i32, i32
  }
  func.func @transform_6(%arg0: i32) -> (i32, i32, i32) {
    %c1_i32 = arith.constant 1 : i32
    %c0_i32 = arith.constant 0 : i32
    %c0_i32_0 = arith.constant 0 : i32
    return %c1_i32, %arg0, %c0_i32 : i32, i32, i32
  }
  func.func @transform_7(%arg0: i32) -> (i32, i32) {
    %c0_i32 = arith.constant 0 : i32
    %c0_i32_0 = arith.constant 0 : i32
    return %arg0, %c0_i32 : i32, i32
  }
  func.func @transform_8(%arg0: i32) -> (i32, i32) {
    %c0_i32 = arith.constant 0 : i32
    %c0_i32_0 = arith.constant 0 : i32
    return %arg0, %c0_i32 : i32, i32
  }
  func.func @transform_9(%arg0: i32) -> (i32, i32) {
    %c0_i32 = arith.constant 0 : i32
    %c0_i32_0 = arith.constant 0 : i32
    return %arg0, %c0_i32 : i32, i32
  }
  func.func @transform_10(%arg0: i32) -> (i32, i32) {
    %c0_i32 = arith.constant 0 : i32
    %c0_i32_0 = arith.constant 0 : i32
    %c0_i32_1 = arith.constant 0 : i32
    return %c0_i32, %c0_i32_0 : i32, i32
  }
  func.func @transform_11(%arg0: i32) -> (i32, i32) {
    %c0_i32 = arith.constant 0 : i32
    %c0_i32_0 = arith.constant 0 : i32
    %c0_i32_1 = arith.constant 0 : i32
    return %c0_i32, %c0_i32_0 : i32, i32
  }
  func.func @transform_12(%arg0: i32) -> (i32, i32) {
    %c0_i32 = arith.constant 0 : i32
    %c0_i32_0 = arith.constant 0 : i32
    %c0_i32_1 = arith.constant 0 : i32
    return %c0_i32, %c0_i32_0 : i32, i32
  }
  func.func @transform_13(%arg0: i32) -> (i32, i32) {
    %c0_i32 = arith.constant 0 : i32
    %c0_i32_0 = arith.constant 0 : i32
    %c0_i32_1 = arith.constant 0 : i32
    return %c0_i32, %c0_i32_0 : i32, i32
  }
  func.func @transform_14(%arg0: i32) -> (i32, i32) {
    %c0_i32 = arith.constant 0 : i32
    %c0_i32_0 = arith.constant 0 : i32
    %c0_i32_1 = arith.constant 0 : i32
    return %c0_i32, %c0_i32_0 : i32, i32
  }
  func.func @transform_15(%arg0: i32) -> (i32, i32) {
    %c0_i32 = arith.constant 0 : i32
    %c0_i32_0 = arith.constant 0 : i32
    return %arg0, %c0_i32 : i32, i32
  }
}

module attributes {stable_mosaic.version = 14 : i64} {
  func.func @_tc_out_body(%arg0: i32, %arg1: memref<1x2000x128xf32, #tpu.memory_space<vmem>>, %arg2: memref<1x2000x128xf32, #tpu.memory_space<vmem>>, %arg3: memref<2000x128xf32, #tpu.memory_space<vmem>>, %arg4: memref<2000x1xf32, #tpu.memory_space<vmem>>, %arg5: memref<2000x1xf32, #tpu.memory_space<vmem>>, %arg6: memref<128x128xf32, #tpu.memory_space<vmem>>, %arg7: memref<1x128xf32, #tpu.memory_space<vmem>>, %arg8: memref<1x128xf32, #tpu.memory_space<vmem>>, %arg9: memref<2000x128xf32, #tpu.memory_space<vmem>>) attributes {dimension_semantics = [#tpu.dimension_semantics<arbitrary>], iteration_bounds = array<i64: 5>, scalar_prefetch = 0 : i64, scratch_operands = 0 : i64, tpu.core_type = #tpu.core_type<tc>, window_params = [{transform_indices = @transform_0, window_bounds = array<i64: 1, 2000, 128>}, {transform_indices = @transform_1, window_bounds = array<i64: 1, 2000, 128>}, {transform_indices = @transform_2, window_bounds = array<i64: 2000, 128>}, {transform_indices = @transform_3, window_bounds = array<i64: 2000, 1>}, {transform_indices = @transform_4, window_bounds = array<i64: 2000, 1>}, {pipeline_mode = #tpu.pipeline_mode<synchronous>, transform_indices = @transform_5, window_bounds = array<i64: 128, 128>}, {pipeline_mode = #tpu.pipeline_mode<synchronous>, transform_indices = @transform_6, window_bounds = array<i64: 1, 128>}, {pipeline_mode = #tpu.pipeline_mode<synchronous>, transform_indices = @transform_7, window_bounds = array<i64: 1, 128>}, {transform_indices = @transform_8, window_bounds = array<i64: 2000, 128>}]} {
    %get3A = arith.constant 0 : index
    %get3A_0 = arith.constant 0 : index
    %get3A_1 = vector.load %arg4[%get3A, %get3A_0] : memref<2000x1xf32, #tpu.memory_space<vmem>>, vector<2000x1xf32>
    %get3A_2 = arith.constant 0 : index
    %get3A_3 = arith.constant 0 : index
    %get3A_4 = vector.load %arg5[%get3A_2, %get3A_3] : memref<2000x1xf32, #tpu.memory_space<vmem>>, vector<2000x1xf32>
    %add3A = arith.addf %get3A_1, %get3A_4 : vector<2000x1xf32>
    %add3A_5 = arith.constant 1.000000e+00 : f32
    %add3A_6 = vector.broadcast %add3A_5 : f32 to vector<2000x1xf32>
    %add3A_7 = arith.addf %add3A, %add3A_6 : vector<2000x1xf32>
    %rsqrt3A = math.rsqrt %add3A_7 : vector<2000x1xf32>
    %get3A_8 = arith.constant 0 : index
    %get3A_9 = arith.constant 0 : index
    %get3A_10 = arith.constant 0 : index
    %get3A_11 = vector.load %arg1[%get3A_8, %get3A_9, %get3A_10] : memref<1x2000x128xf32, #tpu.memory_space<vmem>>, vector<1x2000x128xf32>
    %get3A_12 = vector.shape_cast %get3A_11 : vector<1x2000x128xf32> to vector<2000x128xf32>
    %get3A_13 = arith.constant 0 : index
    %get3A_14 = arith.constant 0 : index
    %get3A_15 = arith.constant 0 : index
    %get3A_16 = vector.load %arg2[%get3A_13, %get3A_14, %get3A_15] : memref<1x2000x128xf32, #tpu.memory_space<vmem>>, vector<1x2000x128xf32>
    %get3A_17 = vector.shape_cast %get3A_16 : vector<1x2000x128xf32> to vector<2000x128xf32>
    %add3A_18 = arith.addf %get3A_12, %get3A_17 : vector<2000x128xf32>
    %get3A_19 = arith.constant 0 : index
    %get3A_20 = arith.constant 0 : index
    %get3A_21 = vector.load %arg3[%get3A_19, %get3A_20] : memref<2000x128xf32, #tpu.memory_space<vmem>>, vector<2000x128xf32>
    %add3A_22 = arith.addf %add3A_18, %get3A_21 : vector<2000x128xf32>
    %mul3A = vector.broadcast %rsqrt3A : vector<2000x1xf32> to vector<2000x128xf32>
    %mul3A_23 = arith.mulf %add3A_22, %mul3A : vector<2000x128xf32>
    %get3A_24 = arith.constant 0 : index
    %get3A_25 = arith.constant 0 : index
    %get3A_26 = vector.load %arg7[%get3A_24, %get3A_25] : memref<1x128xf32, #tpu.memory_space<vmem>>, vector<1x128xf32>
    %add3A_27 = vector.broadcast %get3A_26 : vector<1x128xf32> to vector<2000x128xf32>
    %add3A_28 = arith.addf %mul3A_23, %add3A_27 : vector<2000x128xf32>
    %max3A = arith.constant 0.000000e+00 : f32
    %max3A_29 = vector.broadcast %max3A : f32 to vector<2000x128xf32>
    %max3A_30 = arith.maximumf %add3A_28, %max3A_29 : vector<2000x128xf32>
    %get3A_31 = arith.constant 0 : index
    %get3A_32 = arith.constant 0 : index
    %get3A_33 = vector.load %arg6[%get3A_31, %get3A_32] : memref<128x128xf32, #tpu.memory_space<vmem>>, vector<128x128xf32>
    %dot_general3A = arith.constant dense<0.000000e+00> : vector<2000x128xf32>
    %dot_general3A_34 = tpu.matmul %max3A_30, %get3A_33, %dot_general3A {dimension_numbers = #tpu.dot_dimension_numbers<[1], [0], [0], [1], [0, 0, 1, 1], [], []>, transpose_lhs_hint = false} : vector<2000x128xf32>, vector<128x128xf32>, vector<2000x128xf32> -> vector<2000x128xf32>
    %get3A_35 = arith.constant 0 : index
    %get3A_36 = arith.constant 0 : index
    %get3A_37 = vector.load %arg8[%get3A_35, %get3A_36] : memref<1x128xf32, #tpu.memory_space<vmem>>, vector<1x128xf32>
    %add3A_38 = vector.broadcast %get3A_37 : vector<1x128xf32> to vector<2000x128xf32>
    %add3A_39 = arith.addf %dot_general3A_34, %add3A_38 : vector<2000x128xf32>
    %swap3A = arith.constant 0 : index
    %swap3A_40 = arith.constant 0 : index
    %swap3A_41 = vector.load %arg9[%swap3A, %swap3A_40] : memref<2000x128xf32, #tpu.memory_space<vmem>>, vector<2000x128xf32>
    tpu.vector_store %arg9[%swap3A, %swap3A_40], %add3A_39 {strides = array<i32>} : memref<2000x128xf32, #tpu.memory_space<vmem>>, vector<2000x128xf32>,
    return
  }
  func.func @transform_0(%arg0: i32) -> (i32, i32, i32) {
    %c0_i32 = arith.constant 0 : i32
    %c0_i32_0 = arith.constant 0 : i32
    %c0_i32_1 = arith.constant 0 : i32
    return %c0_i32, %arg0, %c0_i32_0 : i32, i32, i32
  }
  func.func @transform_1(%arg0: i32) -> (i32, i32, i32) {
    %c1_i32 = arith.constant 1 : i32
    %c0_i32 = arith.constant 0 : i32
    %c0_i32_0 = arith.constant 0 : i32
    return %c1_i32, %arg0, %c0_i32 : i32, i32, i32
  }
  func.func @transform_2(%arg0: i32) -> (i32, i32) {
    %c0_i32 = arith.constant 0 : i32
    %c0_i32_0 = arith.constant 0 : i32
    return %arg0, %c0_i32 : i32, i32
  }
  func.func @transform_3(%arg0: i32) -> (i32, i32) {
    %c0_i32 = arith.constant 0 : i32
    %c0_i32_0 = arith.constant 0 : i32
    return %arg0, %c0_i32 : i32, i32
  }
  func.func @transform_4(%arg0: i32) -> (i32, i32) {
    %c0_i32 = arith.constant 0 : i32
    %c0_i32_0 = arith.constant 0 : i32
    return %arg0, %c0_i32 : i32, i32
  }
  func.func @transform_5(%arg0: i32) -> (i32, i32) {
    %c0_i32 = arith.constant 0 : i32
    %c0_i32_0 = arith.constant 0 : i32
    %c0_i32_1 = arith.constant 0 : i32
    return %c0_i32, %c0_i32_0 : i32, i32
  }
  func.func @transform_6(%arg0: i32) -> (i32, i32) {
    %c0_i32 = arith.constant 0 : i32
    %c0_i32_0 = arith.constant 0 : i32
    %c0_i32_1 = arith.constant 0 : i32
    return %c0_i32, %c0_i32_0 : i32, i32
  }
  func.func @transform_7(%arg0: i32) -> (i32, i32) {
    %c0_i32 = arith.constant 0 : i32
    %c0_i32_0 = arith.constant 0 : i32
    %c0_i32_1 = arith.constant 0 : i32
    return %c0_i32, %c0_i32_0 : i32, i32
  }
  func.func @transform_8(%arg0: i32) -> (i32, i32) {
    %c0_i32 = arith.constant 0 : i32
    %c0_i32_0 = arith.constant 0 : i32
    return %arg0, %c0_i32 : i32, i32
  }
}

</mosaic_0001>

<sc_bundles>
// kernel: kernel.11.cloned.1.call-start
scs
__scs_entry_jumppad:
0x0: {  	(pc) =	sbr.rel $0x88, $3  }
0x1: {  	(tag) =	ssettag $0x0;
	lr =	simm.s32 $0x1  }
0x2: {  	[smem:$0x3F94] =	sst lr;
	_ =	strace $0xD0000000  }
0x3: {  	_ = 	snop  }
0x4: {  	_ = 	snop  }
0x5: {  	_ = 	snop  }
0x6: {  	_ = 	snop  }
0x7: {  	_ = 	snop  }
__scs_overlays_trampoline_lowered:
0x8: {  	[smem:$0x3FA3] =	sst s0  }
0x9: {  	[smem:$0x3FA4] =	sst s1  }
0xa: {  	[smem:$0x3FA5] =	sst s2  }
0xb: {  	[smem:$0x3FA6] =	sst s3  }
0xc: {  	[smem:$0x3FA7] =	sst s4  }
0xd: {  	[smem:$0x3FA8] =	sst s5  }
0xe: {  	[smem:$0x3FA9] =	sst s6  }
0xf: {  	[smem:$0x3FAA] =	sst s7  }
0x10: {  	[smem:$0x3FAB] =	sst s8  }
0x11: {  	[smem:$0x3FAC] =	sst s9;
	s0 =	simm.s32 @!p0 $0x0  }
0x12: {  	s1 =	sld [smem:$0x3F92];
	s0 =	simm.s32 @p0 $0x1  }
0x13: {  	[smem:$0x3FAD] =	sst s0;
	s0 =	simm.s32 @!p1 $0x0  }
0x14: {  	s2 =	sld [smem:$0x3F91];
	s0 =	simm.s32 @p1 $0x1  }
0x15: {  	[smem:$0x3FAE] =	sst s0;
	s0 =	simm.s32 @!p2 $0x0  }
0x16: {  	s3 =	sld [smem:$0x3FDB];
	s0 =	simm.s32 @p2 $0x1  }
0x17: {  	s4 =	simm.s32 $0x1BF5;
	[smem:$0x3FB0] =	sst s0  }
0x18: {  	s0 =	sld [smem:$0x3F93];
	_ =	swait.ge [sflag:s4], $0x0  }
0x19: {  	s7 =	sld [smem:$0x3F94]  }
0x1a: {  	s8 =	sadd.s32 $0xFFFFE003, lr  }
0x1b: {  	s9 =	sadd.s32 $0xFFFFFEF7, lr;
	s5 =	simm.s32 $0xFFFFFFFF;
	p2 =	slt.u32 s8, $0xFFFFF086  }
0x1c: {  	p1 =	slt.u32 s9, $0xF7A;
	s5 =	simm.s32 @!p2 $0x0  }
0x1d: {  	s5 =	simm.s32 @p1 $0x1;
	p0 =	seq.s32 s7, s2  }
0x1e: {  	s7 =	smul.u32 @!p0 $0xF7A, s2;
	p2 =	seq.s32 @!p0 s5, $0x0  }
0x1f: {  	s9 =	smul.u32 $0xF7A, s1;
	s8 =	simm.s32 @!p0 $0x1BF5;
	p2 =	por !p2, p0  }
0x20: {  	[sflag:s8] =	ssyncset.s32 @!p0 $0xFFFFF086;
	s6 =	sadd.s32 @!p0 s3, s7;
	s7 =	simm.s32 @!p0 $0x108  }
0x21: {  	s3 =	sadd.s32 s3, s9;
	s6 =	sadd.s32 @!p0 $0x88, s6;
	s7 =	simm.s32 @p2 $0x1082  }
0x22: {  	[simem:s7], [sflag:s8] =	dma.local @!p0 [hbm:s6], $0xF7A  }
0x23: {  	s9 =	sor.u32 $0xD0000000, s2;
	s6 =	simm.s32 $0x108;
	_ =	swait.ge @!p0 [sflag:s8], $0x0  }
0x24: {  	s3 =	sadd.s32 $0x88, s3;
	s6 =	simm.s32 @!p1 $0x1082;
	[sflag:s4] =	ssyncset.s32 $0xFFFFF086  }
0x25: {  	[simem:s6], [sflag:s4] =	dma.local [hbm:s3], $0xF7A  }
0x26: {  	[smem:$0x3F94] =	sst s1;
	(tag) =	ssettag s2;
	_ =	strace s9  }
0x27: {  	s1 =	sld [smem:$0x3FA4]  }
0x28: {  	s2 =	sld [smem:$0x3FA5]  }
0x29: {  	s4 =	sld [smem:$0x3FA7]  }
0x2a: {  	p0 =	seq.s32 s5, $0x0;
	s5 =	sld [smem:$0x3FA8]  }
0x2b: {  	s6 =	sld [smem:$0x3FA9]  }
0x2c: {  	s7 =	sld [smem:$0x3FAA]  }
0x2d: {  	s3 =	simm.s32 $0x108;
	s8 =	sld [smem:$0x3FAB]  }
0x2e: {  	s3 =	simm.s32 @!p0 $0x1082;
	s9 =	sld [smem:$0x3FAC]  }
0x2f: {  	lr =	sadd.s32 s0, s3;
	s0 =	sld [smem:$0x3FA3]  }
0x30: {  	s3 =	sld [smem:$0x3FA6]  }
0x31: {  	[smem:$0x3FAF] =	sst s10  }
0x32: {  	s10 =	sld [smem:$0x3FAD];
	_ =	sdelay $0x3  }
0x33: {  	p0 =	seq.s32 s10, $0x1;
	s10 =	sld [smem:$0x3FAF];
	_ =	sdelay $0x3  }
0x34: {  	[smem:$0x3FAF] =	sst s10  }
0x35: {  	s10 =	sld [smem:$0x3FAE];
	_ =	sdelay $0x3  }
0x36: {  	p1 =	seq.s32 s10, $0x1;
	s10 =	sld [smem:$0x3FAF];
	_ =	sdelay $0x3  }
0x37: {  	[smem:$0x3FAF] =	sst s10  }
0x38: {  	s10 =	sld [smem:$0x3FB0]  }
0x39: {  	_ = 	snop;
	(pc) =	sbr.ind lr, $3  }
0x3a: {  	_ = 	snop  }
0x3b: {  	_ = 	snop  }
0x3c: {  	p2 =	seq.s32 s10, $0x1;
	s10 =	sld [smem:$0x3FAF]  }
0x3d: {  	_ =	shalt  }
0x3e: {  	_ =	shalt  }
0x3f: {  	_ =	shalt  }
0x40: {  	_ =	shalt  }
0x41: {  	_ =	shalt  }
0x42: {  	_ =	shalt  }
0x43: {  	_ =	shalt  }
0x44: {  	_ =	shalt  }
0x45: {  	_ =	shalt  }
0x46: {  	_ =	shalt  }
0x47: {  	_ =	shalt  }
0x48: {  	_ =	shalt  }
0x49: {  	_ =	shalt  }
0x4a: {  	_ =	shalt  }
0x4b: {  	_ =	shalt  }
0x4c: {  	_ =	shalt  }
0x4d: {  	_ =	shalt  }
0x4e: {  	_ =	shalt  }
0x4f: {  	_ =	shalt  }
0x50: {  	_ =	shalt  }
0x51: {  	_ =	shalt  }
0x52: {  	_ =	shalt  }
0x53: {  	_ =	shalt  }
0x54: {  	_ =	shalt  }
0x55: {  	_ =	shalt  }
0x56: {  	_ =	shalt  }
0x57: {  	_ =	shalt  }
0x58: {  	_ =	shalt  }
0x59: {  	_ =	shalt  }
0x5a: {  	_ =	shalt  }
0x5b: {  	_ =	shalt  }
0x5c: {  	_ =	shalt  }
0x5d: {  	_ =	shalt  }
0x5e: {  	_ =	shalt  }
0x5f: {  	_ =	shalt  }
0x60: {  	_ =	shalt  }
0x61: {  	_ =	shalt  }
0x62: {  	_ =	shalt  }
0x63: {  	_ =	shalt  }
0x64: {  	_ =	shalt  }
0x65: {  	_ =	shalt  }
0x66: {  	_ =	shalt  }
0x67: {  	_ =	shalt  }
0x68: {  	_ =	shalt  }
0x69: {  	_ =	shalt  }
0x6a: {  	_ =	shalt  }
0x6b: {  	_ =	shalt  }
0x6c: {  	_ =	shalt  }
0x6d: {  	_ =	shalt  }
0x6e: {  	_ =	shalt  }
0x6f: {  	_ =	shalt  }
0x70: {  	_ =	shalt  }
0x71: {  	_ =	shalt  }
0x72: {  	_ =	shalt  }
0x73: {  	_ =	shalt  }
0x74: {  	_ =	shalt  }
0x75: {  	_ =	shalt  }
0x76: {  	_ =	shalt  }
0x77: {  	_ =	shalt  }
0x78: {  	_ =	shalt  }
0x79: {  	_ =	shalt  }
0x7a: {  	_ =	shalt  }
0x7b: {  	_ =	shalt  }
0x7c: {  	_ =	shalt  }
0x7d: {  	_ =	shalt  }
0x7e: {  	_ =	shalt  }
0x7f: {  	_ =	shalt  }
0x80: {  	_ =	shalt  }
0x81: {  	_ =	shalt  }
0x82: {  	_ =	shalt  }
0x83: {  	_ =	shalt  }
0x84: {  	_ =	shalt  }
0x85: {  	_ =	shalt  }
0x86: {  	_ =	shalt  }
0x87: {  	_ =	shalt  }
.Lfunc_end0:
.L_simem_size_0:
called_computation.1_lowered:
.L_overlay_start_0:
0x88: {  	s2 =	sld [smem:$0x3FD9]  }
0x89: {  	s3 =	sld [smem:$0x3FFE];
	_ =	sdelay $0x1  }
0x8a: {  	s1 =	srdreg.scid  }
0x8b: {  	s0 =	sand.u32 $0x1, s1  }
0x8c: {  	s17 =	sshll.u32 s0, $0xA;
	s2 =	sadd.s32 s3, s2  }
0x8d: {  	s2 =	sadd.s32 s2, s17  }
0x8e: {  	[smem:$0x3FBB] =	sst s2  }
0x8f: {  	_ = 	snop  }
0x90: {  	s2 =	sld [smem:$0x3FD0];
	(tm) =	ssettm $0x1  }
0x91: {  	s18 =	sld [smem:$0x3FFB];
	_ =	sdelay $0x3  }
0x92: {  	_ =	strace s18  }
0x93: {  	s3 =	sld [smem:$0x3FFC];
	_ =	sdelay $0x3  }
0x94: {  	_ =	strace s3  }
0x95: {  	s3 =	sld [smem:$0x3FFD];
	_ =	sdelay $0x3  }
0x96: {  	_ =	strace s3  }
0x97: {  	_ =	strace $0x8FFFFFFF  }
0x98: {  	s19 =	sld [smem:$0x3FDB];
	_ =	sdelay $0x1  }
0x99: {  	s4 =	simm.s32 $_scs_section_size  }
0x9a: {  	s5 =	simm.s32 $_size__tile_overlayer_lowered;
	s6 =	simm.s32 $_tile_overlayer_lowered  }
0x9b: {  	s22 =	simm.s32 $0x1BFF;
	s21 =	sshll.u32 s6, $0x1;
	s3 =	sadd.s32 s4, s19  }
0x9c: {  	s7 =	simm.s32 $0x0;
	s20 =	sshll.u32 s5, $0x1;
	s5 =	sadd.s32 s21, s3  }
0x9d: {  	[timem:s7], [sflag:s22] =	dma.local [hbm:s5], s20  }
0x9e: {  	_ =	swait.ge [sflag:s22], s20  }
0x9f: {  	s4 =	ssub.s32 $0x0, s20;
	[sflag:s22] =	ssyncset.done $0x0  }
0xa0: {  	[sflag:s22] =	ssyncadd.s32 s4;
	_ =	sdelay $0x1  }
0xa1: {  	s23 =	simm.s32 $0x1B8B  }
0xa2: {  	_ =	swait.ge [sflag:s23], $0x1  }
0xa3: {  	[sflag:s23] =	ssyncset.done $0x0  }
0xa4: {  	s25 =	simm.s32 $0x1B8E;
	s24 =	sld [smem:$0x3FFE];
	[sflag:s23] =	ssyncadd.s32 $0xFFFFFFFF  }
0xa5: {  	s26 =	simm.s32 $execute0_lowered;
	[smem:$0x3FD2] =	sst s25  }
0xa6: {  	s5 =	sshll.u32 s26, $0x1;
	_ =	strace $0x80000049;
	[dreg:$0x1] =	wrdreg $0xFFFFFFFF  }
0xa7: {  	s28 =	simm.s32 $_size_execute0_lowered;
	s3 =	sadd.s32 s3, s5;
	[dreg:$0x0] =	wrdreg $0x0  }
0xa8: {  	s5 =	sshll.u32 s28, $0x1;
	[dreg:$0x2] =	wrdreg s3  }
0xa9: {  	[dreg:$0x3] =	wrdreg s5  }
0xaa: {  	[dreg:$0x4] =	wrdreg $0xC0  }
0xab: {  	_ =	task [dreg:s7], $0x5FFFF  }
0xac: {  	[dreg:$0x1] =	wrdreg $0xFFFFFFFF  }
0xad: {  	[dreg:$0x0] =	wrdreg $0x60  }
0xae: {  	[dreg:$0x2] =	wrdreg s2  }
0xaf: {  	[dreg:$0x3] =	wrdreg s24  }
0xb0: {  	[dreg:$0x4] =	wrdreg $0x82000  }
0xb1: {  	[dreg:$0x5] =	wrdreg $0x9  }
0xb2: {  	_ =	task.clear_ibuf [dreg:s7], $0x6FFFF;
	_ =	strace $0x90000049  }
0xb3: {  	s29 =	simm.s32 $0x9;
	_ =	strace $0x8000004B  }
0xb4: {  	_ =	swait.ge [sflag:s29], $0x1  }
0xb5: {  	[sflag:s29] =	ssyncadd.s32 $0xFFFFFFFF  }
0xb6: {  	_ =	strace $0x9000004B  }
0xb7: {  	_ =	sfence  }
0xb8: {  	s30 =	sld [smem:$0x0];
	_ =	sdelay $0x2  }
0xb9: {  	s31 =	sshll.u32 s1, $0xD;
	s1 =	sshrl.u32 s1, $0x2  }
0xba: {  	s3 =	sand.u32 $0x4000, s31;
	s1 =	sadd.s32 s1, s30  }
0xbb: {  	s0 =	sor.u32 s3, s0;
	s1 =	sshll.u32 s1, $0x11  }
0xbc: {  	s0 =	sor.u32 s1, s0  }
0xbd: {  	s0 =	sadd.s32 $0x8F2B, s0  }
0xbe: {  	[sflag:s0] =	ssyncadd.remote.s32 $0x1  }
0xbf: {  	_ =	sfence.sel $0xFFFF  }
0xc0: {  	[dreg:$0x0] =	wrdreg $0xFFFFFFFF;
	(pc) =	sbr.abs _section_cstart, $3  }
0xc1: {  	[dreg:$0x1] =	wrdreg $0xFFFFFFFF  }
0xc2: {  	_ =	task.clear_ibuf [dreg:s7], $0x2FFFF;
	_ =	strace $0x9FFFFFFF  }
0xc3: {  	(tm) =	ssettm $0x7FFFFFFF  }
tec
execute0_lowered:
.L_overlay_start_1:
0x0: {  	(tag) =	ssettag $0x1  }
0x1: {  	s1 =	rddreg [dreg:$0x0]  }
0x2: {  	s0 =	rddreg [dreg:$0x1]  }
0x3: {  	s2 =	rddreg [dreg:$0x2];
	s3 =	srdreg.scid;
	s4 =	simm.s32 $0x0  }
0x4: {  	s5 =	stileid.u32;
	s28 =	simm.s32 $0x4200;
	s29 =	simm.s32 $0x5  }
0x5: {  	s30 =	simm.s32 $0x6;
	s31 =	simm.s32 $0x0;
	s3 =	sand.u32 $0x1, s3  }
0x6: {  	[smem:$0x7FF] =	sst s4;
	s7 =	smul.u32 $0x14000, s5;
	s14 =	sadd.s32 $0x2400, s0  }
0x7: {  	s15 =	sadd.s32 $0xC200, s0;
	s8 =	sadd.s32 $0x20200, s0;
	s20 =	smul.u32 $0x50000, s5  }
0x8: {  	s23 =	sshll.u32 s5, $0x6;
	s18 =	sshll.u32 s5, $0x4;
	s6 =	smul.u32 $0x140000, s3  }
0x9: {  	_ =	strace $0x8000004A;
	[dreg:$0x4] =	wrdreg s8;
	s19 =	ssub.s32 $0x2, s3  }
0xa: {  	s9 =	sshll.u32 s3, $0x4;
	s3 =	sshll.u32 s3, $0x8;
	s21 =	sshrl.u32 s19, $0x1  }
0xb: {  	s10 =	sor.u32 s5, s9;
	s22 =	sshrl.u32 s20, $0x2;
	s16 =	sadd.s32 s3, s15  }
0xc: {  	s3 =	sadd.s32 s3, s14;
	s20 =	simm.s32 $0x100;
	s6 =	sadd.s32 s7, s6  }
0xd: {  	s12 =	ssub.s32 s19, s21;
	s17 =	sadd.s32 s22, s2;
	s24 =	sshll.u32 s10, $0x4  }
0xe: {  	s19 =	simm.s32 $0x80;
	s21 =	simm.s32 $0x180;
	s22 =	simm.s32 $0x1  }
0xf: {  	s6 =	sshrl.u32 s6, $0x3;
	s25 =	sadd.s32 s14, s24;
	s11 =	sor.u32 $0x200, s24  }
0x10: {  	s8 =	sadd.s32 s15, s24;
	s12 =	smax.u32 s12, $0x1;
	s17 =	sshrl.u32 s17, $0x3  }
0x11: {  	s24 =	simm.s32 $0x200;
	s0 =	sadd.s32 s6, s0;
	s6 =	sor.u32 $0x1C07, s23  }
0x12: {  	[dreg:$0x5] =	wrdreg s25;
	s9 =	sadd.s32 s14, s11;
	s25 =	sor.u32 $0x9C0, s10  }
0x13: {  	s10 =	sadd.s32 s15, s11;
	s23 =	simm.s32 $0x2;
	s11 =	sadd.s32 $0x73E00, s0  }
0x14: {  	s26 =	sshll.u32 s25, $0x4;
	p0 =	sgt.u32 s25, $0x9C3;
	s25 =	simm.s32 $0x3  }
0x15: {  	s13 =	sadd.s32 s14, s26;
	s14 =	sadd.s32 s15, s26;
	s15 =	sadd.s32 s18, s16  }
0x16: {  	s16 =	sadd.s32 s18, s3;
	s18 =	simm.s32 $0x7;
	s26 =	simm.s32 $0x4  }
.LBB2_1:
0x17: {  	s0 =	rddreg [dreg:$0x4]  }
0x18: {  	[spmem:s17], [sflag:s6] =	dma.local [hbm:s0], $0x2800  }
0x19: {  	_ =	swait.ge [sflag:s18], $0x2800  }
0x1a: {  	[sflag:s18] =	ssyncset.done $0x0  }
0x1b: {  	[sflag:s18] =	ssyncadd.s32 $0xFFFFD800  }
0x1c: {  	[bflag:$0x0] =	sbarrier.arrive $0xFFFF  }
0x1d: {  	s5 =	rddreg [dreg:$0x5]  }
0x1e: {  	[tilespmem:s4], [sflag:$0x1] =	stream.linear.gather [hbm4b:s5+s4], $0x80, $0x38;
	[tilespmem:$0x1C200] =	vst v63  }
0x1f: {  	_ = 	snop  }
0x20: {  	[tilespmem:s19], [sflag:$0x2] =	stream.linear.gather [hbm4b:s8+s4], $0x80, $0x38;
	[tilespmem:$0x1C200] =	vst v63  }
0x21: {  	_ = 	snop  }
0x22: {  	[tilespmem:s20], [sflag:$0x3] =	stream.linear.gather [hbm4b:s9+s4], $0x80, $0x38;
	[tilespmem:$0x1C200] =	vst v63  }
0x23: {  	_ = 	snop  }
0x24: {  	[tilespmem:s21], [sflag:$0x4] =	stream.linear.gather [hbm4b:s10+s4], $0x80, $0x38;
	[tilespmem:$0x1C200] =	vst v63  }
0x25: {  	_ =	swait.ge [sflag:s22], $0x80  }
0x26: {  	[sflag:s22] =	ssyncset.done $0x0  }
0x27: {  	[sflag:s22] =	ssyncadd.s32 $0xFFFFFF80  }
0x28: {  	_ =	swait.ge [sflag:s23], $0x80  }
0x29: {  	[sflag:s23] =	ssyncset.done $0x0  }
0x2a: {  	[sflag:s23] =	ssyncadd.s32 $0xFFFFFF80  }
0x2b: {  	[tilespmem:s24], [sflag:$0x5] =	stream.indirect.gather [hbm4b:s1+s19], $0x80, s4, s19, $0xb8;
	[tilespmem:$0x1C200] =	vst v63  }
0x2c: {  	_ =	swait.ge [sflag:s25], $0x80  }
0x2d: {  	[sflag:s25] =	ssyncset.done $0x0  }
0x2e: {  	[sflag:s25] =	ssyncadd.s32 $0xFFFFFF80  }
0x2f: {  	_ =	swait.ge [sflag:s26], $0x80  }
0x30: {  	[sflag:s26] =	ssyncset.done $0x0  }
0x31: {  	[sflag:s26] =	ssyncadd.s32 $0xFFFFFF80  }
0x32: {  	[tilespmem:s28], [sflag:$0x6] =	stream.indirect.gather [hbm4b:s1+s19], $0x80, s20, s19, $0xb8;
	[tilespmem:$0x1C200] =	vst v63  }
0x33: {  	_ =	swait.ge [sflag:s29], $0x4000  }
0x34: {  	[sflag:s29] =	ssyncset.done $0x0  }
0x35: {  	[sflag:s29] =	ssyncadd.s32 $0xFFFFC000  }
0x36: {  	[spmem:s2] =	stream.indirect.scatter.add.f32 [tilespmem:s24], [sflag:$0x7], $0x80, s19, s19, $0xb8;
	[tilespmem:$0x1C200] =	vst v63  }
0x37: {  	_ =	swait.ge [sflag:s18], $0x4000  }
0x38: {  	s0 =	sadd.s32 $0x0, s16;
	[sflag:s18] =	ssyncset.done $0x0  }
0x39: {  	s3 =	sadd.s32 $0x400, s0;
	s5 =	sadd.s32 $0x0, s15;
	[sflag:s18] =	ssyncadd.s32 $0xFFFFC000  }
0x3a: {  	[tilespmem:s4], [sflag:$0x1] =	stream.linear.gather [hbm4b:s3+s4], $0x80, $0x38;
	[tilespmem:$0x1C200] =	vst v63  }
0x3b: {  	s7 =	sadd.s32 $0x400, s5  }
0x3c: {  	[tilespmem:s19], [sflag:$0x2] =	stream.linear.gather [hbm4b:s7+s4], $0x80, $0x38;
	[tilespmem:$0x1C200] =	vst v63  }
0x3d: {  	_ =	swait.ge [sflag:s22], $0x80  }
0x3e: {  	[sflag:s22] =	ssyncset.done $0x0  }
0x3f: {  	[sflag:s22] =	ssyncadd.s32 $0xFFFFFF80  }
0x40: {  	_ =	swait.ge [sflag:s23], $0x80  }
0x41: {  	[sflag:s23] =	ssyncset.done $0x0  }
0x42: {  	[sflag:s23] =	ssyncadd.s32 $0xFFFFFF80  }
0x43: {  	[tilespmem:s24], [sflag:$0x5] =	stream.indirect.gather [hbm4b:s1+s19], $0x80, s4, s19, $0xb8;
	[tilespmem:$0x1C200] =	vst v63  }
0x44: {  	_ =	swait.ge [sflag:s30], $0x4000  }
0x45: {  	[sflag:s30] =	ssyncset.done $0x0  }
0x46: {  	[sflag:s30] =	ssyncadd.s32 $0xFFFFC000  }
0x47: {  	[spmem:s2] =	stream.indirect.scatter.add.f32 [tilespmem:s28], [sflag:$0x7], $0x80, s21, s19, $0xb8;
	[tilespmem:$0x1C200] =	vst v63  }
0x48: {  	_ =	swait.ge [sflag:s18], $0x4000  }
0x49: {  	[sflag:s18] =	ssyncset.done $0x0  }
0x4a: {  	s0 =	sadd.s32 $0x600, s0;
	[sflag:s18] =	ssyncadd.s32 $0xFFFFC000  }
0x4b: {  	[tilespmem:s20], [sflag:$0x3] =	stream.linear.gather [hbm4b:s0+s4], $0x80, $0x38;
	[tilespmem:$0x1C200] =	vst v63  }
0x4c: {  	s3 =	sadd.s32 $0x600, s5;
	s0 =	simm.s32 $0x400  }
.LBB2_2:
0x4d: {  	[tilespmem:s21], [sflag:$0x4] =	stream.linear.gather [hbm4b:s3+s4], $0x80, $0x38;
	[tilespmem:$0x1C200] =	vst v63  }
0x4e: {  	s3 =	smov.u32 s0  }
0x4f: {  	p1 =	sne.s32 s0, $0x9400;
	s0 =	sadd.s32 $0x400, s0;
	_ =	swait.ge [sflag:s25], $0x80  }
0x50: {  	[sflag:s25] =	ssyncset.done $0x0  }
0x51: {  	[sflag:s25] =	ssyncadd.s32 $0xFFFFFF80  }
0x52: {  	_ =	swait.ge [sflag:s26], $0x80  }
0x53: {  	[sflag:s26] =	ssyncset.done $0x0  }
0x54: {  	[sflag:s26] =	ssyncadd.s32 $0xFFFFFF80  }
0x55: {  	[tilespmem:s28], [sflag:$0x6] =	stream.indirect.gather [hbm4b:s1+s19], $0x80, s20, s19, $0xb8;
	[tilespmem:$0x1C200] =	vst v63  }
0x56: {  	_ =	swait.ge [sflag:s29], $0x4000  }
0x57: {  	[sflag:s29] =	ssyncset.done $0x0  }
0x58: {  	[sflag:s29] =	ssyncadd.s32 $0xFFFFC000  }
0x59: {  	[spmem:s2] =	stream.indirect.scatter.add.f32 [tilespmem:s24], [sflag:$0x7], $0x80, s19, s19, $0xb8;
	[tilespmem:$0x1C200] =	vst v63  }
0x5a: {  	_ =	swait.ge [sflag:s18], $0x4000  }
0x5b: {  	s5 =	sadd.s32 s3, s16;
	[sflag:s18] =	ssyncset.done $0x0  }
0x5c: {  	s3 =	sadd.s32 s3, s15;
	s7 =	sadd.s32 $0x400, s5;
	[sflag:s18] =	ssyncadd.s32 $0xFFFFC000  }
0x5d: {  	[tilespmem:s4], [sflag:$0x1] =	stream.linear.gather [hbm4b:s7+s4], $0x80, $0x38;
	[tilespmem:$0x1C200] =	vst v63  }
0x5e: {  	s7 =	sadd.s32 $0x400, s3  }
0x5f: {  	[tilespmem:s19], [sflag:$0x2] =	stream.linear.gather [hbm4b:s7+s4], $0x80, $0x38;
	[tilespmem:$0x1C200] =	vst v63  }
0x60: {  	_ =	swait.ge [sflag:s22], $0x80  }
0x61: {  	[sflag:s22] =	ssyncset.done $0x0  }
0x62: {  	[sflag:s22] =	ssyncadd.s32 $0xFFFFFF80  }
0x63: {  	_ =	swait.ge [sflag:s23], $0x80  }
0x64: {  	[sflag:s23] =	ssyncset.done $0x0  }
0x65: {  	[sflag:s23] =	ssyncadd.s32 $0xFFFFFF80  }
0x66: {  	[tilespmem:s24], [sflag:$0x5] =	stream.indirect.gather [hbm4b:s1+s19], $0x80, s4, s19, $0xb8;
	[tilespmem:$0x1C200] =	vst v63  }
0x67: {  	_ =	swait.ge [sflag:s30], $0x4000  }
0x68: {  	[sflag:s30] =	ssyncset.done $0x0  }
0x69: {  	[sflag:s30] =	ssyncadd.s32 $0xFFFFC000  }
0x6a: {  	[spmem:s2] =	stream.indirect.scatter.add.f32 [tilespmem:s28], [sflag:$0x7], $0x80, s21, s19, $0xb8;
	[tilespmem:$0x1C200] =	vst v63  }
.Ltmp0:
0x6b: {  	_ =	swait.ge [sflag:s18], $0x4000;
	(pc) =	sbr.rel @p1 .LBB2_2-.Ltmp0, $4  }
0x6c: {  	[sflag:s18] =	ssyncset.done $0x0  }
0x6d: {  	s5 =	sadd.s32 $0x600, s5;
	[sflag:s18] =	ssyncadd.s32 $0xFFFFC000  }
0x6e: {  	[tilespmem:s20], [sflag:$0x3] =	stream.linear.gather [hbm4b:s5+s4], $0x80, $0x38;
	[tilespmem:$0x1C200] =	vst v63  }
0x6f: {  	s3 =	sadd.s32 $0x600, s3  }
0x70: {  	[tilespmem:s21], [sflag:$0x4] =	stream.linear.gather [hbm4b:s3+s4], $0x80, $0x38;
	[tilespmem:$0x1C200] =	vst v63  }
0x71: {  	_ =	swait.ge [sflag:s25], $0x80  }
0x72: {  	[sflag:s25] =	ssyncset.done $0x0  }
0x73: {  	[sflag:s25] =	ssyncadd.s32 $0xFFFFFF80  }
0x74: {  	_ =	swait.ge [sflag:s26], $0x80  }
0x75: {  	[sflag:s26] =	ssyncset.done $0x0  }
0x76: {  	[sflag:s26] =	ssyncadd.s32 $0xFFFFFF80  }
0x77: {  	[tilespmem:s28], [sflag:$0x6] =	stream.indirect.gather [hbm4b:s1+s19], $0x80, s20, s19, $0xb8;
	[tilespmem:$0x1C200] =	vst v63  }
0x78: {  	_ =	swait.ge [sflag:s29], $0x4000  }
0x79: {  	[sflag:s29] =	ssyncset.done $0x0  }
0x7a: {  	[sflag:s29] =	ssyncadd.s32 $0xFFFFC000  }
0x7b: {  	[spmem:s2] =	stream.indirect.scatter.add.f32 [tilespmem:s24], [sflag:$0x7], $0x80, s19, s19, $0xb8;
	[tilespmem:$0x1C200] =	vst v63  }
0x7c: {  	_ =	swait.ge [sflag:s18], $0x4000  }
0x7d: {  	[sflag:s18] =	ssyncset.done $0x0  }
0x7e: {  	s0 =	simm.s32 @!p0 $0x0;
	[sflag:s18] =	ssyncadd.s32 $0xFFFFC000  }
0x7f: {  	[tilespmem:s0], [sflag:$0x1] =	stream.linear.gather @!p0 [hbm4b:s13+s0], $0x80, $0x38;
	[tilespmem:$0x1C200] =	vst v63  }
0x80: {  	s3 =	simm.s32 @!p0 $0x80;
	s5 =	simm.s32 @!p0 $0x1  }
0x81: {  	[tilespmem:s3], [sflag:$0x2] =	stream.linear.gather @!p0 [hbm4b:s14+s0], $0x80, $0x38;
	[tilespmem:$0x1C200] =	vst v63  }
0x82: {  	_ =	swait.ge @!p0 [sflag:s5], $0x80  }
0x83: {  	[sflag:s5] =	ssyncset.done @!p0 $0x0  }
0x84: {  	[sflag:s5] =	ssyncadd.s32 @!p0 $0xFFFFFF80;
	s5 =	simm.s32 @!p0 $0x2  }
0x85: {  	_ =	swait.ge @!p0 [sflag:s5], $0x80  }
0x86: {  	[sflag:s5] =	ssyncset.done @!p0 $0x0  }
0x87: {  	[sflag:s5] =	ssyncadd.s32 @!p0 $0xFFFFFF80;
	s5 =	simm.s32 @!p0 $0x200  }
0x88: {  	[tilespmem:s5], [sflag:$0x5] =	stream.indirect.gather @!p0 [hbm4b:s1+s3], $0x80, s0, s3, $0xb8;
	[tilespmem:$0x1C200] =	vst v63  }
0x89: {  	_ =	swait.ge [sflag:s30], $0x4000  }
0x8a: {  	[sflag:s30] =	ssyncset.done $0x0  }
0x8b: {  	[sflag:s30] =	ssyncadd.s32 $0xFFFFC000  }
0x8c: {  	[spmem:s2] =	stream.indirect.scatter.add.f32 [tilespmem:s28], [sflag:$0x7], $0x80, s21, s19, $0xb8;
	[tilespmem:$0x1C200] =	vst v63  }
0x8d: {  	_ =	swait.ge [sflag:s18], $0x4000  }
0x8e: {  	[sflag:s18] =	ssyncset.done $0x0  }
0x8f: {  	s0 =	simm.s32 @!p0 $0x5;
	[sflag:s18] =	ssyncadd.s32 $0xFFFFC000  }
0x90: {  	_ =	swait.ge @!p0 [sflag:s0], $0x4000  }
0x91: {  	[sflag:s0] =	ssyncset.done @!p0 $0x0  }
0x92: {  	[sflag:s0] =	ssyncadd.s32 @!p0 $0xFFFFC000;
	s0 =	simm.s32 @!p0 $0x7  }
0x93: {  	[spmem:s2] =	stream.indirect.scatter.add.f32 @!p0 [tilespmem:s5], [sflag:$0x7], $0x80, s3, s3, $0xb8;
	[tilespmem:$0x1C200] =	vst v63  }
0x94: {  	_ =	swait.ge @!p0 [sflag:s0], $0x4000  }
0x95: {  	s31 =	sadd.s32 $0x1, s31;
	[sflag:s0] =	ssyncset.done @!p0 $0x0  }
0x96: {  	p1 =	sne.s32 s31, s12;
	[sflag:s0] =	ssyncadd.s32 @!p0 $0xFFFFC000  }
.Ltmp1:
0x97: {  	[bflag:$0x0] =	sbarrier.arrive $0xFFFF;
	(pc) =	sbr.rel @p1 .LBB2_1-.Ltmp1, $4  }
0x98: {  	[hbm:s11], [sflag:s6] =	dma.local [spmem:s17], $0x2800  }
0x99: {  	_ =	swait.ge [sflag:s18], $0x2800  }
0x9a: {  	[sflag:s18] =	ssyncset.done $0x0  }
0x9b: {  	[sflag:s18] =	ssyncadd.s32 $0xFFFFD800  }
0x9c: {  	_ =	sfence.sel $0x180000  }
0x9d: {  	[bflag:$0x0] =	sbarrier.arrive $0xFFFF  }
0x9e: {  	_ =	strace $0x9000004A  }
0x9f: {  	s0 =	stileid.u32;
	[bflag:$0x2] =	sbarrier.arrive $0xFFFF  }
0xa0: {  	p0 =	sne.s32 s0, $0x0;
	s0 =	rddreg [dreg:$0x3]  }
0xa1: {  	s0 =	sadd.s32 @!p0 $0x100000, s0  }
0xa2: {  	[sflag:s0] =	ssyncadd.tile.s32 @!p0 $0x1;
	_ =	shalt  }
.Lfunc_end2:
_tile_overlayer_lowered:
.L_overlay_start_2:
0xa3: {  	(tag) =	ssettag $0x2  }
0xa4: {  	s0 =	rddreg [dreg:$0x0];
	s2 =	stileid.u32  }
0xa5: {  	s1 =	rddreg [dreg:$0x1];
	p0 =	sne.s32 s2, $0x0  }
0xa6: {  	s3 =	rddreg [dreg:$0x2];
	[bflag:$0x3] =	sbarrier.arrive $0xFFFF;
	s2 =	simm.s32 @!p0 $0x1C07  }
0xa7: {  	[timem:s3], [sflag:s2] =	dma.local @!p0 [hbm:s0], s1  }
0xa8: {  	s0 =	simm.s32 @!p0 $0x7  }
0xa9: {  	_ =	swait.ge @!p0 [sflag:s0], s1  }
0xaa: {  	s1 =	ssub.s32 @!p0 $0x0, s1;
	[sflag:s0] =	ssyncset.done @!p0 $0x0  }
0xab: {  	[sflag:s0] =	ssyncadd.s32 @!p0 s1  }
0xac: {  	[bflag:$0x3] =	sbarrier.arrive $0xFFFF  }
0xad: {  	_ =	shalt  }

// kernel: kernel.14.cloned.1.call-start
scs
__scs_entry_jumppad:
0x0: {  	(pc) =	sbr.rel $0x88, $3  }
0x1: {  	(tag) =	ssettag $0x0;
	lr =	simm.s32 $0x1  }
0x2: {  	[smem:$0x3F94] =	sst lr;
	_ =	strace $0xD0000000  }
0x3: {  	_ = 	snop  }
0x4: {  	_ = 	snop  }
0x5: {  	_ = 	snop  }
0x6: {  	_ = 	snop  }
0x7: {  	_ = 	snop  }
__scs_overlays_trampoline_lowered:
0x8: {  	[smem:$0x3FA3] =	sst s0  }
0x9: {  	[smem:$0x3FA4] =	sst s1  }
0xa: {  	[smem:$0x3FA5] =	sst s2  }
0xb: {  	[smem:$0x3FA6] =	sst s3  }
0xc: {  	[smem:$0x3FA7] =	sst s4  }
0xd: {  	[smem:$0x3FA8] =	sst s5  }
0xe: {  	[smem:$0x3FA9] =	sst s6  }
0xf: {  	[smem:$0x3FAA] =	sst s7  }
0x10: {  	[smem:$0x3FAB] =	sst s8  }
0x11: {  	[smem:$0x3FAC] =	sst s9;
	s0 =	simm.s32 @!p0 $0x0  }
0x12: {  	s1 =	sld [smem:$0x3F92];
	s0 =	simm.s32 @p0 $0x1  }
0x13: {  	[smem:$0x3FAD] =	sst s0;
	s0 =	simm.s32 @!p1 $0x0  }
0x14: {  	s2 =	sld [smem:$0x3F91];
	s0 =	simm.s32 @p1 $0x1  }
0x15: {  	[smem:$0x3FAE] =	sst s0;
	s0 =	simm.s32 @!p2 $0x0  }
0x16: {  	s3 =	sld [smem:$0x3FDB];
	s0 =	simm.s32 @p2 $0x1  }
0x17: {  	s4 =	simm.s32 $0x1BF5;
	[smem:$0x3FB0] =	sst s0  }
0x18: {  	s0 =	sld [smem:$0x3F93];
	_ =	swait.ge [sflag:s4], $0x0  }
0x19: {  	s7 =	sld [smem:$0x3F94]  }
0x1a: {  	s8 =	sadd.s32 $0xFFFFE003, lr  }
0x1b: {  	s9 =	sadd.s32 $0xFFFFFEF7, lr;
	s5 =	simm.s32 $0xFFFFFFFF;
	p2 =	slt.u32 s8, $0xFFFFF086  }
0x1c: {  	p1 =	slt.u32 s9, $0xF7A;
	s5 =	simm.s32 @!p2 $0x0  }
0x1d: {  	s5 =	simm.s32 @p1 $0x1;
	p0 =	seq.s32 s7, s2  }
0x1e: {  	s7 =	smul.u32 @!p0 $0xF7A, s2;
	p2 =	seq.s32 @!p0 s5, $0x0  }
0x1f: {  	s9 =	smul.u32 $0xF7A, s1;
	s8 =	simm.s32 @!p0 $0x1BF5;
	p2 =	por !p2, p0  }
0x20: {  	[sflag:s8] =	ssyncset.s32 @!p0 $0xFFFFF086;
	s6 =	sadd.s32 @!p0 s3, s7;
	s7 =	simm.s32 @!p0 $0x108  }
0x21: {  	s3 =	sadd.s32 s3, s9;
	s6 =	sadd.s32 @!p0 $0x88, s6;
	s7 =	simm.s32 @p2 $0x1082  }
0x22: {  	[simem:s7], [sflag:s8] =	dma.local @!p0 [hbm:s6], $0xF7A  }
0x23: {  	s9 =	sor.u32 $0xD0000000, s2;
	s6 =	simm.s32 $0x108;
	_ =	swait.ge @!p0 [sflag:s8], $0x0  }
0x24: {  	s3 =	sadd.s32 $0x88, s3;
	s6 =	simm.s32 @!p1 $0x1082;
	[sflag:s4] =	ssyncset.s32 $0xFFFFF086  }
0x25: {  	[simem:s6], [sflag:s4] =	dma.local [hbm:s3], $0xF7A  }
0x26: {  	[smem:$0x3F94] =	sst s1;
	(tag) =	ssettag s2;
	_ =	strace s9  }
0x27: {  	s1 =	sld [smem:$0x3FA4]  }
0x28: {  	s2 =	sld [smem:$0x3FA5]  }
0x29: {  	s4 =	sld [smem:$0x3FA7]  }
0x2a: {  	p0 =	seq.s32 s5, $0x0;
	s5 =	sld [smem:$0x3FA8]  }
0x2b: {  	s6 =	sld [smem:$0x3FA9]  }
0x2c: {  	s7 =	sld [smem:$0x3FAA]  }
0x2d: {  	s3 =	simm.s32 $0x108;
	s8 =	sld [smem:$0x3FAB]  }
0x2e: {  	s3 =	simm.s32 @!p0 $0x1082;
	s9 =	sld [smem:$0x3FAC]  }
0x2f: {  	lr =	sadd.s32 s0, s3;
	s0 =	sld [smem:$0x3FA3]  }
0x30: {  	s3 =	sld [smem:$0x3FA6]  }
0x31: {  	[smem:$0x3FAF] =	sst s10  }
0x32: {  	s10 =	sld [smem:$0x3FAD];
	_ =	sdelay $0x3  }
0x33: {  	p0 =	seq.s32 s10, $0x1;
	s10 =	sld [smem:$0x3FAF];
	_ =	sdelay $0x3  }
0x34: {  	[smem:$0x3FAF] =	sst s10  }
0x35: {  	s10 =	sld [smem:$0x3FAE];
	_ =	sdelay $0x3  }
0x36: {  	p1 =	seq.s32 s10, $0x1;
	s10 =	sld [smem:$0x3FAF];
	_ =	sdelay $0x3  }
0x37: {  	[smem:$0x3FAF] =	sst s10  }
0x38: {  	s10 =	sld [smem:$0x3FB0]  }
0x39: {  	_ = 	snop;
	(pc) =	sbr.ind lr, $3  }
0x3a: {  	_ = 	snop  }
0x3b: {  	_ = 	snop  }
0x3c: {  	p2 =	seq.s32 s10, $0x1;
	s10 =	sld [smem:$0x3FAF]  }
0x3d: {  	_ =	shalt  }
0x3e: {  	_ =	shalt  }
0x3f: {  	_ =	shalt  }
0x40: {  	_ =	shalt  }
0x41: {  	_ =	shalt  }
0x42: {  	_ =	shalt  }
0x43: {  	_ =	shalt  }
0x44: {  	_ =	shalt  }
0x45: {  	_ =	shalt  }
0x46: {  	_ =	shalt  }
0x47: {  	_ =	shalt  }
0x48: {  	_ =	shalt  }
0x49: {  	_ =	shalt  }
0x4a: {  	_ =	shalt  }
0x4b: {  	_ =	shalt  }
0x4c: {  	_ =	shalt  }
0x4d: {  	_ =	shalt  }
0x4e: {  	_ =	shalt  }
0x4f: {  	_ =	shalt  }
0x50: {  	_ =	shalt  }
0x51: {  	_ =	shalt  }
0x52: {  	_ =	shalt  }
0x53: {  	_ =	shalt  }
0x54: {  	_ =	shalt  }
0x55: {  	_ =	shalt  }
0x56: {  	_ =	shalt  }
0x57: {  	_ =	shalt  }
0x58: {  	_ =	shalt  }
0x59: {  	_ =	shalt  }
0x5a: {  	_ =	shalt  }
0x5b: {  	_ =	shalt  }
0x5c: {  	_ =	shalt  }
0x5d: {  	_ =	shalt  }
0x5e: {  	_ =	shalt  }
0x5f: {  	_ =	shalt  }
0x60: {  	_ =	shalt  }
0x61: {  	_ =	shalt  }
0x62: {  	_ =	shalt  }
0x63: {  	_ =	shalt  }
0x64: {  	_ =	shalt  }
0x65: {  	_ =	shalt  }
0x66: {  	_ =	shalt  }
0x67: {  	_ =	shalt  }
0x68: {  	_ =	shalt  }
0x69: {  	_ =	shalt  }
0x6a: {  	_ =	shalt  }
0x6b: {  	_ =	shalt  }
0x6c: {  	_ =	shalt  }
0x6d: {  	_ =	shalt  }
0x6e: {  	_ =	shalt  }
0x6f: {  	_ =	shalt  }
0x70: {  	_ =	shalt  }
0x71: {  	_ =	shalt  }
0x72: {  	_ =	shalt  }
0x73: {  	_ =	shalt  }
0x74: {  	_ =	shalt  }
0x75: {  	_ =	shalt  }
0x76: {  	_ =	shalt  }
0x77: {  	_ =	shalt  }
0x78: {  	_ =	shalt  }
0x79: {  	_ =	shalt  }
0x7a: {  	_ =	shalt  }
0x7b: {  	_ =	shalt  }
0x7c: {  	_ =	shalt  }
0x7d: {  	_ =	shalt  }
0x7e: {  	_ =	shalt  }
0x7f: {  	_ =	shalt  }
0x80: {  	_ =	shalt  }
0x81: {  	_ =	shalt  }
0x82: {  	_ =	shalt  }
0x83: {  	_ =	shalt  }
0x84: {  	_ =	shalt  }
0x85: {  	_ =	shalt  }
0x86: {  	_ =	shalt  }
0x87: {  	_ =	shalt  }
.Lfunc_end0:
.L_simem_size_0:
called_computation.2_lowered:
.L_overlay_start_0:
0x88: {  	s2 =	sld [smem:$0x3FD9]  }
0x89: {  	s3 =	sld [smem:$0x3FFE];
	_ =	sdelay $0x1  }
0x8a: {  	s1 =	srdreg.scid  }
0x8b: {  	s0 =	sand.u32 $0x1, s1  }
0x8c: {  	s17 =	sshll.u32 s0, $0xA;
	s2 =	sadd.s32 s3, s2  }
0x8d: {  	s2 =	sadd.s32 s2, s17  }
0x8e: {  	[smem:$0x3FBB] =	sst s2  }
0x8f: {  	_ = 	snop  }
0x90: {  	s2 =	sld [smem:$0x3FD0];
	(tm) =	ssettm $0x1  }
0x91: {  	s18 =	sld [smem:$0x3FFB];
	_ =	sdelay $0x3  }
0x92: {  	_ =	strace s18  }
0x93: {  	s3 =	sld [smem:$0x3FFC];
	_ =	sdelay $0x3  }
0x94: {  	_ =	strace s3  }
0x95: {  	s3 =	sld [smem:$0x3FFD];
	_ =	sdelay $0x3  }
0x96: {  	_ =	strace s3  }
0x97: {  	_ =	strace $0x8FFFFFFF  }
0x98: {  	s19 =	sld [smem:$0x3FDB];
	_ =	sdelay $0x1  }
0x99: {  	s4 =	simm.s32 $_scs_section_size  }
0x9a: {  	s5 =	simm.s32 $_size__tile_overlayer_lowered;
	s6 =	simm.s32 $_tile_overlayer_lowered  }
0x9b: {  	s22 =	simm.s32 $0x1BFF;
	s21 =	sshll.u32 s6, $0x1;
	s3 =	sadd.s32 s4, s19  }
0x9c: {  	s7 =	simm.s32 $0x0;
	s20 =	sshll.u32 s5, $0x1;
	s5 =	sadd.s32 s21, s3  }
0x9d: {  	[timem:s7], [sflag:s22] =	dma.local [hbm:s5], s20  }
0x9e: {  	_ =	swait.ge [sflag:s22], s20  }
0x9f: {  	s4 =	ssub.s32 $0x0, s20;
	[sflag:s22] =	ssyncset.done $0x0  }
0xa0: {  	[sflag:s22] =	ssyncadd.s32 s4;
	_ =	sdelay $0x1  }
0xa1: {  	s23 =	simm.s32 $0x1B8B  }
0xa2: {  	_ =	swait.ge [sflag:s23], $0x1  }
0xa3: {  	[sflag:s23] =	ssyncset.done $0x0  }
0xa4: {  	s25 =	simm.s32 $0x1B8E;
	s24 =	sld [smem:$0x3FFE];
	[sflag:s23] =	ssyncadd.s32 $0xFFFFFFFF  }
0xa5: {  	s26 =	simm.s32 $execute0_lowered;
	[smem:$0x3FD2] =	sst s25  }
0xa6: {  	s5 =	sshll.u32 s26, $0x1;
	_ =	strace $0x8000004C;
	[dreg:$0x1] =	wrdreg $0xFFFFFFFF  }
0xa7: {  	s28 =	simm.s32 $_size_execute0_lowered;
	s3 =	sadd.s32 s3, s5;
	[dreg:$0x0] =	wrdreg $0x0  }
0xa8: {  	s5 =	sshll.u32 s28, $0x1;
	[dreg:$0x2] =	wrdreg s3  }
0xa9: {  	[dreg:$0x3] =	wrdreg s5  }
0xaa: {  	[dreg:$0x4] =	wrdreg $0xC0  }
0xab: {  	_ =	task [dreg:s7], $0x5FFFF  }
0xac: {  	[dreg:$0x1] =	wrdreg $0xFFFFFFFF  }
0xad: {  	[dreg:$0x0] =	wrdreg $0x60  }
0xae: {  	[dreg:$0x2] =	wrdreg s2  }
0xaf: {  	[dreg:$0x3] =	wrdreg s24  }
0xb0: {  	[dreg:$0x4] =	wrdreg $0x82000  }
0xb1: {  	[dreg:$0x5] =	wrdreg $0x9  }
0xb2: {  	_ =	task.clear_ibuf [dreg:s7], $0x6FFFF;
	_ =	strace $0x9000004C  }
0xb3: {  	s29 =	simm.s32 $0x9;
	_ =	strace $0x8000004E  }
0xb4: {  	_ =	swait.ge [sflag:s29], $0x1  }
0xb5: {  	[sflag:s29] =	ssyncadd.s32 $0xFFFFFFFF  }
0xb6: {  	_ =	strace $0x9000004E  }
0xb7: {  	_ =	sfence  }
0xb8: {  	s30 =	sld [smem:$0x0];
	_ =	sdelay $0x2  }
0xb9: {  	s31 =	sshll.u32 s1, $0xD;
	s1 =	sshrl.u32 s1, $0x2  }
0xba: {  	s3 =	sand.u32 $0x4000, s31;
	s1 =	sadd.s32 s1, s30  }
0xbb: {  	s0 =	sor.u32 s3, s0;
	s1 =	sshll.u32 s1, $0x11  }
0xbc: {  	s0 =	sor.u32 s1, s0  }
0xbd: {  	s0 =	sadd.s32 $0x8F2B, s0  }
0xbe: {  	[sflag:s0] =	ssyncadd.remote.s32 $0x1  }
0xbf: {  	_ =	sfence.sel $0xFFFF  }
0xc0: {  	[dreg:$0x0] =	wrdreg $0xFFFFFFFF;
	(pc) =	sbr.abs _section_cstart, $3  }
0xc1: {  	[dreg:$0x1] =	wrdreg $0xFFFFFFFF  }
0xc2: {  	_ =	task.clear_ibuf [dreg:s7], $0x2FFFF;
	_ =	strace $0x9FFFFFFF  }
0xc3: {  	(tm) =	ssettm $0x7FFFFFFF  }
tec
execute0_lowered:
.L_overlay_start_1:
0x0: {  	(tag) =	ssettag $0x1  }
0x1: {  	s1 =	rddreg [dreg:$0x0]  }
0x2: {  	s0 =	rddreg [dreg:$0x1]  }
0x3: {  	s2 =	rddreg [dreg:$0x2];
	s3 =	srdreg.scid;
	s4 =	simm.s32 $0x0  }
0x4: {  	s5 =	stileid.u32;
	s28 =	simm.s32 $0x4200;
	s29 =	simm.s32 $0x5  }
0x5: {  	s30 =	simm.s32 $0x6;
	s31 =	simm.s32 $0x0;
	s3 =	sand.u32 $0x1, s3  }
0x6: {  	[smem:$0x7FF] =	sst s4;
	s7 =	smul.u32 $0x14000, s5;
	s14 =	sadd.s32 $0x2400, s0  }
0x7: {  	s15 =	sadd.s32 $0xC200, s0;
	s8 =	sadd.s32 $0x20200, s0;
	s20 =	smul.u32 $0x50000, s5  }
0x8: {  	s23 =	sshll.u32 s5, $0x6;
	s18 =	sshll.u32 s5, $0x4;
	s6 =	smul.u32 $0x140000, s3  }
0x9: {  	_ =	strace $0x8000004D;
	[dreg:$0x4] =	wrdreg s8;
	s19 =	ssub.s32 $0x2, s3  }
0xa: {  	s9 =	sshll.u32 s3, $0x4;
	s3 =	sshll.u32 s3, $0x8;
	s21 =	sshrl.u32 s19, $0x1  }
0xb: {  	s10 =	sor.u32 s5, s9;
	s22 =	sshrl.u32 s20, $0x2;
	s16 =	sadd.s32 s3, s15  }
0xc: {  	s3 =	sadd.s32 s3, s14;
	s20 =	simm.s32 $0x100;
	s6 =	sadd.s32 s7, s6  }
0xd: {  	s12 =	ssub.s32 s19, s21;
	s17 =	sadd.s32 s22, s2;
	s24 =	sshll.u32 s10, $0x4  }
0xe: {  	s19 =	simm.s32 $0x80;
	s21 =	simm.s32 $0x180;
	s22 =	simm.s32 $0x1  }
0xf: {  	s6 =	sshrl.u32 s6, $0x3;
	s25 =	sadd.s32 s14, s24;
	s11 =	sor.u32 $0x200, s24  }
0x10: {  	s8 =	sadd.s32 s15, s24;
	s12 =	smax.u32 s12, $0x1;
	s17 =	sshrl.u32 s17, $0x3  }
0x11: {  	s24 =	simm.s32 $0x200;
	s0 =	sadd.s32 s6, s0;
	s6 =	sor.u32 $0x1C07, s23  }
0x12: {  	[dreg:$0x5] =	wrdreg s25;
	s9 =	sadd.s32 s14, s11;
	s25 =	sor.u32 $0x9C0, s10  }
0x13: {  	s10 =	sadd.s32 s15, s11;
	s23 =	simm.s32 $0x2;
	s11 =	sadd.s32 $0x22A00, s0  }
0x14: {  	s26 =	sshll.u32 s25, $0x4;
	p0 =	sgt.u32 s25, $0x9C3;
	s25 =	simm.s32 $0x3  }
0x15: {  	s13 =	sadd.s32 s14, s26;
	s14 =	sadd.s32 s15, s26;
	s15 =	sadd.s32 s18, s16  }
0x16: {  	s16 =	sadd.s32 s18, s3;
	s18 =	simm.s32 $0x7;
	s26 =	simm.s32 $0x4  }
.LBB2_1:
0x17: {  	s0 =	rddreg [dreg:$0x4]  }
0x18: {  	[spmem:s17], [sflag:s6] =	dma.local [hbm:s0], $0x2800  }
0x19: {  	_ =	swait.ge [sflag:s18], $0x2800  }
0x1a: {  	[sflag:s18] =	ssyncset.done $0x0  }
0x1b: {  	[sflag:s18] =	ssyncadd.s32 $0xFFFFD800  }
0x1c: {  	[bflag:$0x0] =	sbarrier.arrive $0xFFFF  }
0x1d: {  	s5 =	rddreg [dreg:$0x5]  }
0x1e: {  	[tilespmem:s4], [sflag:$0x1] =	stream.linear.gather [hbm4b:s5+s4], $0x80, $0x38;
	[tilespmem:$0x1C200] =	vst v63  }
0x1f: {  	_ = 	snop  }
0x20: {  	[tilespmem:s19], [sflag:$0x2] =	stream.linear.gather [hbm4b:s8+s4], $0x80, $0x38;
	[tilespmem:$0x1C200] =	vst v63  }
0x21: {  	_ = 	snop  }
0x22: {  	[tilespmem:s20], [sflag:$0x3] =	stream.linear.gather [hbm4b:s9+s4], $0x80, $0x38;
	[tilespmem:$0x1C200] =	vst v63  }
0x23: {  	_ = 	snop  }
0x24: {  	[tilespmem:s21], [sflag:$0x4] =	stream.linear.gather [hbm4b:s10+s4], $0x80, $0x38;
	[tilespmem:$0x1C200] =	vst v63  }
0x25: {  	_ =	swait.ge [sflag:s22], $0x80  }
0x26: {  	[sflag:s22] =	ssyncset.done $0x0  }
0x27: {  	[sflag:s22] =	ssyncadd.s32 $0xFFFFFF80  }
0x28: {  	_ =	swait.ge [sflag:s23], $0x80  }
0x29: {  	[sflag:s23] =	ssyncset.done $0x0  }
0x2a: {  	[sflag:s23] =	ssyncadd.s32 $0xFFFFFF80  }
0x2b: {  	[tilespmem:s24], [sflag:$0x5] =	stream.indirect.gather [hbm4b:s1+s19], $0x80, s4, s19, $0xb8;
	[tilespmem:$0x1C200] =	vst v63  }
0x2c: {  	_ =	swait.ge [sflag:s25], $0x80  }
0x2d: {  	[sflag:s25] =	ssyncset.done $0x0  }
0x2e: {  	[sflag:s25] =	ssyncadd.s32 $0xFFFFFF80  }
0x2f: {  	_ =	swait.ge [sflag:s26], $0x80  }
0x30: {  	[sflag:s26] =	ssyncset.done $0x0  }
0x31: {  	[sflag:s26] =	ssyncadd.s32 $0xFFFFFF80  }
0x32: {  	[tilespmem:s28], [sflag:$0x6] =	stream.indirect.gather [hbm4b:s1+s19], $0x80, s20, s19, $0xb8;
	[tilespmem:$0x1C200] =	vst v63  }
0x33: {  	_ =	swait.ge [sflag:s29], $0x4000  }
0x34: {  	[sflag:s29] =	ssyncset.done $0x0  }
0x35: {  	[sflag:s29] =	ssyncadd.s32 $0xFFFFC000  }
0x36: {  	[spmem:s2] =	stream.indirect.scatter.add.f32 [tilespmem:s24], [sflag:$0x7], $0x80, s19, s19, $0xb8;
	[tilespmem:$0x1C200] =	vst v63  }
0x37: {  	_ =	swait.ge [sflag:s18], $0x4000  }
0x38: {  	s0 =	sadd.s32 $0x0, s16;
	[sflag:s18] =	ssyncset.done $0x0  }
0x39: {  	s3 =	sadd.s32 $0x400, s0;
	s5 =	sadd.s32 $0x0, s15;
	[sflag:s18] =	ssyncadd.s32 $0xFFFFC000  }
0x3a: {  	[tilespmem:s4], [sflag:$0x1] =	stream.linear.gather [hbm4b:s3+s4], $0x80, $0x38;
	[tilespmem:$0x1C200] =	vst v63  }
0x3b: {  	s7 =	sadd.s32 $0x400, s5  }
0x3c: {  	[tilespmem:s19], [sflag:$0x2] =	stream.linear.gather [hbm4b:s7+s4], $0x80, $0x38;
	[tilespmem:$0x1C200] =	vst v63  }
0x3d: {  	_ =	swait.ge [sflag:s22], $0x80  }
0x3e: {  	[sflag:s22] =	ssyncset.done $0x0  }
0x3f: {  	[sflag:s22] =	ssyncadd.s32 $0xFFFFFF80  }
0x40: {  	_ =	swait.ge [sflag:s23], $0x80  }
0x41: {  	[sflag:s23] =	ssyncset.done $0x0  }
0x42: {  	[sflag:s23] =	ssyncadd.s32 $0xFFFFFF80  }
0x43: {  	[tilespmem:s24], [sflag:$0x5] =	stream.indirect.gather [hbm4b:s1+s19], $0x80, s4, s19, $0xb8;
	[tilespmem:$0x1C200] =	vst v63  }
0x44: {  	_ =	swait.ge [sflag:s30], $0x4000  }
0x45: {  	[sflag:s30] =	ssyncset.done $0x0  }
0x46: {  	[sflag:s30] =	ssyncadd.s32 $0xFFFFC000  }
0x47: {  	[spmem:s2] =	stream.indirect.scatter.add.f32 [tilespmem:s28], [sflag:$0x7], $0x80, s21, s19, $0xb8;
	[tilespmem:$0x1C200] =	vst v63  }
0x48: {  	_ =	swait.ge [sflag:s18], $0x4000  }
0x49: {  	[sflag:s18] =	ssyncset.done $0x0  }
0x4a: {  	s0 =	sadd.s32 $0x600, s0;
	[sflag:s18] =	ssyncadd.s32 $0xFFFFC000  }
0x4b: {  	[tilespmem:s20], [sflag:$0x3] =	stream.linear.gather [hbm4b:s0+s4], $0x80, $0x38;
	[tilespmem:$0x1C200] =	vst v63  }
0x4c: {  	s3 =	sadd.s32 $0x600, s5;
	s0 =	simm.s32 $0x400  }
.LBB2_2:
0x4d: {  	[tilespmem:s21], [sflag:$0x4] =	stream.linear.gather [hbm4b:s3+s4], $0x80, $0x38;
	[tilespmem:$0x1C200] =	vst v63  }
0x4e: {  	s3 =	smov.u32 s0  }
0x4f: {  	p1 =	sne.s32 s0, $0x9400;
	s0 =	sadd.s32 $0x400, s0;
	_ =	swait.ge [sflag:s25], $0x80  }
0x50: {  	[sflag:s25] =	ssyncset.done $0x0  }
0x51: {  	[sflag:s25] =	ssyncadd.s32 $0xFFFFFF80  }
0x52: {  	_ =	swait.ge [sflag:s26], $0x80  }
0x53: {  	[sflag:s26] =	ssyncset.done $0x0  }
0x54: {  	[sflag:s26] =	ssyncadd.s32 $0xFFFFFF80  }
0x55: {  	[tilespmem:s28], [sflag:$0x6] =	stream.indirect.gather [hbm4b:s1+s19], $0x80, s20, s19, $0xb8;
	[tilespmem:$0x1C200] =	vst v63  }
0x56: {  	_ =	swait.ge [sflag:s29], $0x4000  }
0x57: {  	[sflag:s29] =	ssyncset.done $0x0  }
0x58: {  	[sflag:s29] =	ssyncadd.s32 $0xFFFFC000  }
0x59: {  	[spmem:s2] =	stream.indirect.scatter.add.f32 [tilespmem:s24], [sflag:$0x7], $0x80, s19, s19, $0xb8;
	[tilespmem:$0x1C200] =	vst v63  }
0x5a: {  	_ =	swait.ge [sflag:s18], $0x4000  }
0x5b: {  	s5 =	sadd.s32 s3, s16;
	[sflag:s18] =	ssyncset.done $0x0  }
0x5c: {  	s3 =	sadd.s32 s3, s15;
	s7 =	sadd.s32 $0x400, s5;
	[sflag:s18] =	ssyncadd.s32 $0xFFFFC000  }
0x5d: {  	[tilespmem:s4], [sflag:$0x1] =	stream.linear.gather [hbm4b:s7+s4], $0x80, $0x38;
	[tilespmem:$0x1C200] =	vst v63  }
0x5e: {  	s7 =	sadd.s32 $0x400, s3  }
0x5f: {  	[tilespmem:s19], [sflag:$0x2] =	stream.linear.gather [hbm4b:s7+s4], $0x80, $0x38;
	[tilespmem:$0x1C200] =	vst v63  }
0x60: {  	_ =	swait.ge [sflag:s22], $0x80  }
0x61: {  	[sflag:s22] =	ssyncset.done $0x0  }
0x62: {  	[sflag:s22] =	ssyncadd.s32 $0xFFFFFF80  }
0x63: {  	_ =	swait.ge [sflag:s23], $0x80  }
0x64: {  	[sflag:s23] =	ssyncset.done $0x0  }
0x65: {  	[sflag:s23] =	ssyncadd.s32 $0xFFFFFF80  }
0x66: {  	[tilespmem:s24], [sflag:$0x5] =	stream.indirect.gather [hbm4b:s1+s19], $0x80, s4, s19, $0xb8;
	[tilespmem:$0x1C200] =	vst v63  }
0x67: {  	_ =	swait.ge [sflag:s30], $0x4000  }
0x68: {  	[sflag:s30] =	ssyncset.done $0x0  }
0x69: {  	[sflag:s30] =	ssyncadd.s32 $0xFFFFC000  }
0x6a: {  	[spmem:s2] =	stream.indirect.scatter.add.f32 [tilespmem:s28], [sflag:$0x7], $0x80, s21, s19, $0xb8;
	[tilespmem:$0x1C200] =	vst v63  }
.Ltmp0:
0x6b: {  	_ =	swait.ge [sflag:s18], $0x4000;
	(pc) =	sbr.rel @p1 .LBB2_2-.Ltmp0, $4  }
0x6c: {  	[sflag:s18] =	ssyncset.done $0x0  }
0x6d: {  	s5 =	sadd.s32 $0x600, s5;
	[sflag:s18] =	ssyncadd.s32 $0xFFFFC000  }
0x6e: {  	[tilespmem:s20], [sflag:$0x3] =	stream.linear.gather [hbm4b:s5+s4], $0x80, $0x38;
	[tilespmem:$0x1C200] =	vst v63  }
0x6f: {  	s3 =	sadd.s32 $0x600, s3  }
0x70: {  	[tilespmem:s21], [sflag:$0x4] =	stream.linear.gather [hbm4b:s3+s4], $0x80, $0x38;
	[tilespmem:$0x1C200] =	vst v63  }
0x71: {  	_ =	swait.ge [sflag:s25], $0x80  }
0x72: {  	[sflag:s25] =	ssyncset.done $0x0  }
0x73: {  	[sflag:s25] =	ssyncadd.s32 $0xFFFFFF80  }
0x74: {  	_ =	swait.ge [sflag:s26], $0x80  }
0x75: {  	[sflag:s26] =	ssyncset.done $0x0  }
0x76: {  	[sflag:s26] =	ssyncadd.s32 $0xFFFFFF80  }
0x77: {  	[tilespmem:s28], [sflag:$0x6] =	stream.indirect.gather [hbm4b:s1+s19], $0x80, s20, s19, $0xb8;
	[tilespmem:$0x1C200] =	vst v63  }
0x78: {  	_ =	swait.ge [sflag:s29], $0x4000  }
0x79: {  	[sflag:s29] =	ssyncset.done $0x0  }
0x7a: {  	[sflag:s29] =	ssyncadd.s32 $0xFFFFC000  }
0x7b: {  	[spmem:s2] =	stream.indirect.scatter.add.f32 [tilespmem:s24], [sflag:$0x7], $0x80, s19, s19, $0xb8;
	[tilespmem:$0x1C200] =	vst v63  }
0x7c: {  	_ =	swait.ge [sflag:s18], $0x4000  }
0x7d: {  	[sflag:s18] =	ssyncset.done $0x0  }
0x7e: {  	s0 =	simm.s32 @!p0 $0x0;
	[sflag:s18] =	ssyncadd.s32 $0xFFFFC000  }
0x7f: {  	[tilespmem:s0], [sflag:$0x1] =	stream.linear.gather @!p0 [hbm4b:s13+s0], $0x80, $0x38;
	[tilespmem:$0x1C200] =	vst v63  }
0x80: {  	s3 =	simm.s32 @!p0 $0x80;
	s5 =	simm.s32 @!p0 $0x1  }
0x81: {  	[tilespmem:s3], [sflag:$0x2] =	stream.linear.gather @!p0 [hbm4b:s14+s0], $0x80, $0x38;
	[tilespmem:$0x1C200] =	vst v63  }
0x82: {  	_ =	swait.ge @!p0 [sflag:s5], $0x80  }
0x83: {  	[sflag:s5] =	ssyncset.done @!p0 $0x0  }
0x84: {  	[sflag:s5] =	ssyncadd.s32 @!p0 $0xFFFFFF80;
	s5 =	simm.s32 @!p0 $0x2  }
0x85: {  	_ =	swait.ge @!p0 [sflag:s5], $0x80  }
0x86: {  	[sflag:s5] =	ssyncset.done @!p0 $0x0  }
0x87: {  	[sflag:s5] =	ssyncadd.s32 @!p0 $0xFFFFFF80;
	s5 =	simm.s32 @!p0 $0x200  }
0x88: {  	[tilespmem:s5], [sflag:$0x5] =	stream.indirect.gather @!p0 [hbm4b:s1+s3], $0x80, s0, s3, $0xb8;
	[tilespmem:$0x1C200] =	vst v63  }
0x89: {  	_ =	swait.ge [sflag:s30], $0x4000  }
0x8a: {  	[sflag:s30] =	ssyncset.done $0x0  }
0x8b: {  	[sflag:s30] =	ssyncadd.s32 $0xFFFFC000  }
0x8c: {  	[spmem:s2] =	stream.indirect.scatter.add.f32 [tilespmem:s28], [sflag:$0x7], $0x80, s21, s19, $0xb8;
	[tilespmem:$0x1C200] =	vst v63  }
0x8d: {  	_ =	swait.ge [sflag:s18], $0x4000  }
0x8e: {  	[sflag:s18] =	ssyncset.done $0x0  }
0x8f: {  	s0 =	simm.s32 @!p0 $0x5;
	[sflag:s18] =	ssyncadd.s32 $0xFFFFC000  }
0x90: {  	_ =	swait.ge @!p0 [sflag:s0], $0x4000  }
0x91: {  	[sflag:s0] =	ssyncset.done @!p0 $0x0  }
0x92: {  	[sflag:s0] =	ssyncadd.s32 @!p0 $0xFFFFC000;
	s0 =	simm.s32 @!p0 $0x7  }
0x93: {  	[spmem:s2] =	stream.indirect.scatter.add.f32 @!p0 [tilespmem:s5], [sflag:$0x7], $0x80, s3, s3, $0xb8;
	[tilespmem:$0x1C200] =	vst v63  }
0x94: {  	_ =	swait.ge @!p0 [sflag:s0], $0x4000  }
0x95: {  	s31 =	sadd.s32 $0x1, s31;
	[sflag:s0] =	ssyncset.done @!p0 $0x0  }
0x96: {  	p1 =	sne.s32 s31, s12;
	[sflag:s0] =	ssyncadd.s32 @!p0 $0xFFFFC000  }
.Ltmp1:
0x97: {  	[bflag:$0x0] =	sbarrier.arrive $0xFFFF;
	(pc) =	sbr.rel @p1 .LBB2_1-.Ltmp1, $4  }
0x98: {  	[hbm:s11], [sflag:s6] =	dma.local [spmem:s17], $0x2800  }
0x99: {  	_ =	swait.ge [sflag:s18], $0x2800  }
0x9a: {  	[sflag:s18] =	ssyncset.done $0x0  }
0x9b: {  	[sflag:s18] =	ssyncadd.s32 $0xFFFFD800  }
0x9c: {  	_ =	sfence.sel $0x180000  }
0x9d: {  	[bflag:$0x0] =	sbarrier.arrive $0xFFFF  }
0x9e: {  	_ =	strace $0x9000004D  }
0x9f: {  	s0 =	stileid.u32;
	[bflag:$0x2] =	sbarrier.arrive $0xFFFF  }
0xa0: {  	p0 =	sne.s32 s0, $0x0;
	s0 =	rddreg [dreg:$0x3]  }
0xa1: {  	s0 =	sadd.s32 @!p0 $0x100000, s0  }
0xa2: {  	[sflag:s0] =	ssyncadd.tile.s32 @!p0 $0x1;
	_ =	shalt  }
.Lfunc_end2:
_tile_overlayer_lowered:
.L_overlay_start_2:
0xa3: {  	(tag) =	ssettag $0x2  }
0xa4: {  	s0 =	rddreg [dreg:$0x0];
	s2 =	stileid.u32  }
0xa5: {  	s1 =	rddreg [dreg:$0x1];
	p0 =	sne.s32 s2, $0x0  }
0xa6: {  	s3 =	rddreg [dreg:$0x2];
	[bflag:$0x3] =	sbarrier.arrive $0xFFFF;
	s2 =	simm.s32 @!p0 $0x1C07  }
0xa7: {  	[timem:s3], [sflag:s2] =	dma.local @!p0 [hbm:s0], s1  }
0xa8: {  	s0 =	simm.s32 @!p0 $0x7  }
0xa9: {  	_ =	swait.ge @!p0 [sflag:s0], s1  }
0xaa: {  	s1 =	ssub.s32 @!p0 $0x0, s1;
	[sflag:s0] =	ssyncset.done @!p0 $0x0  }
0xab: {  	[sflag:s0] =	ssyncadd.s32 @!p0 s1  }
0xac: {  	[bflag:$0x3] =	sbarrier.arrive $0xFFFF  }
0xad: {  	_ =	shalt  }

// kernel: kernel.8.cloned.1.call-start
scs
__scs_entry_jumppad:
0x0: {  	(pc) =	sbr.rel $0x88, $3  }
0x1: {  	(tag) =	ssettag $0x0;
	lr =	simm.s32 $0x1  }
0x2: {  	[smem:$0x3F94] =	sst lr;
	_ =	strace $0xD0000000  }
0x3: {  	_ = 	snop  }
0x4: {  	_ = 	snop  }
0x5: {  	_ = 	snop  }
0x6: {  	_ = 	snop  }
0x7: {  	_ = 	snop  }
__scs_overlays_trampoline_lowered:
0x8: {  	[smem:$0x3FA3] =	sst s0  }
0x9: {  	[smem:$0x3FA4] =	sst s1  }
0xa: {  	[smem:$0x3FA5] =	sst s2  }
0xb: {  	[smem:$0x3FA6] =	sst s3  }
0xc: {  	[smem:$0x3FA7] =	sst s4  }
0xd: {  	[smem:$0x3FA8] =	sst s5  }
0xe: {  	[smem:$0x3FA9] =	sst s6  }
0xf: {  	[smem:$0x3FAA] =	sst s7  }
0x10: {  	[smem:$0x3FAB] =	sst s8  }
0x11: {  	[smem:$0x3FAC] =	sst s9;
	s0 =	simm.s32 @!p0 $0x0  }
0x12: {  	s1 =	sld [smem:$0x3F92];
	s0 =	simm.s32 @p0 $0x1  }
0x13: {  	[smem:$0x3FAD] =	sst s0;
	s0 =	simm.s32 @!p1 $0x0  }
0x14: {  	s2 =	sld [smem:$0x3F91];
	s0 =	simm.s32 @p1 $0x1  }
0x15: {  	[smem:$0x3FAE] =	sst s0;
	s0 =	simm.s32 @!p2 $0x0  }
0x16: {  	s3 =	sld [smem:$0x3FDB];
	s0 =	simm.s32 @p2 $0x1  }
0x17: {  	s4 =	simm.s32 $0x1BF5;
	[smem:$0x3FB0] =	sst s0  }
0x18: {  	s0 =	sld [smem:$0x3F93];
	_ =	swait.ge [sflag:s4], $0x0  }
0x19: {  	s7 =	sld [smem:$0x3F94]  }
0x1a: {  	s8 =	sadd.s32 $0xFFFFE003, lr  }
0x1b: {  	s9 =	sadd.s32 $0xFFFFFEF7, lr;
	s5 =	simm.s32 $0xFFFFFFFF;
	p2 =	slt.u32 s8, $0xFFFFF086  }
0x1c: {  	p1 =	slt.u32 s9, $0xF7A;
	s5 =	simm.s32 @!p2 $0x0  }
0x1d: {  	s5 =	simm.s32 @p1 $0x1;
	p0 =	seq.s32 s7, s2  }
0x1e: {  	s7 =	smul.u32 @!p0 $0xF7A, s2;
	p2 =	seq.s32 @!p0 s5, $0x0  }
0x1f: {  	s9 =	smul.u32 $0xF7A, s1;
	s8 =	simm.s32 @!p0 $0x1BF5;
	p2 =	por !p2, p0  }
0x20: {  	[sflag:s8] =	ssyncset.s32 @!p0 $0xFFFFF086;
	s6 =	sadd.s32 @!p0 s3, s7;
	s7 =	simm.s32 @!p0 $0x108  }
0x21: {  	s3 =	sadd.s32 s3, s9;
	s6 =	sadd.s32 @!p0 $0x88, s6;
	s7 =	simm.s32 @p2 $0x1082  }
0x22: {  	[simem:s7], [sflag:s8] =	dma.local @!p0 [hbm:s6], $0xF7A  }
0x23: {  	s9 =	sor.u32 $0xD0000000, s2;
	s6 =	simm.s32 $0x108;
	_ =	swait.ge @!p0 [sflag:s8], $0x0  }
0x24: {  	s3 =	sadd.s32 $0x88, s3;
	s6 =	simm.s32 @!p1 $0x1082;
	[sflag:s4] =	ssyncset.s32 $0xFFFFF086  }
0x25: {  	[simem:s6], [sflag:s4] =	dma.local [hbm:s3], $0xF7A  }
0x26: {  	[smem:$0x3F94] =	sst s1;
	(tag) =	ssettag s2;
	_ =	strace s9  }
0x27: {  	s1 =	sld [smem:$0x3FA4]  }
0x28: {  	s2 =	sld [smem:$0x3FA5]  }
0x29: {  	s4 =	sld [smem:$0x3FA7]  }
0x2a: {  	p0 =	seq.s32 s5, $0x0;
	s5 =	sld [smem:$0x3FA8]  }
0x2b: {  	s6 =	sld [smem:$0x3FA9]  }
0x2c: {  	s7 =	sld [smem:$0x3FAA]  }
0x2d: {  	s3 =	simm.s32 $0x108;
	s8 =	sld [smem:$0x3FAB]  }
0x2e: {  	s3 =	simm.s32 @!p0 $0x1082;
	s9 =	sld [smem:$0x3FAC]  }
0x2f: {  	lr =	sadd.s32 s0, s3;
	s0 =	sld [smem:$0x3FA3]  }
0x30: {  	s3 =	sld [smem:$0x3FA6]  }
0x31: {  	[smem:$0x3FAF] =	sst s10  }
0x32: {  	s10 =	sld [smem:$0x3FAD];
	_ =	sdelay $0x3  }
0x33: {  	p0 =	seq.s32 s10, $0x1;
	s10 =	sld [smem:$0x3FAF];
	_ =	sdelay $0x3  }
0x34: {  	[smem:$0x3FAF] =	sst s10  }
0x35: {  	s10 =	sld [smem:$0x3FAE];
	_ =	sdelay $0x3  }
0x36: {  	p1 =	seq.s32 s10, $0x1;
	s10 =	sld [smem:$0x3FAF];
	_ =	sdelay $0x3  }
0x37: {  	[smem:$0x3FAF] =	sst s10  }
0x38: {  	s10 =	sld [smem:$0x3FB0]  }
0x39: {  	_ = 	snop;
	(pc) =	sbr.ind lr, $3  }
0x3a: {  	_ = 	snop  }
0x3b: {  	_ = 	snop  }
0x3c: {  	p2 =	seq.s32 s10, $0x1;
	s10 =	sld [smem:$0x3FAF]  }
0x3d: {  	_ =	shalt  }
0x3e: {  	_ =	shalt  }
0x3f: {  	_ =	shalt  }
0x40: {  	_ =	shalt  }
0x41: {  	_ =	shalt  }
0x42: {  	_ =	shalt  }
0x43: {  	_ =	shalt  }
0x44: {  	_ =	shalt  }
0x45: {  	_ =	shalt  }
0x46: {  	_ =	shalt  }
0x47: {  	_ =	shalt  }
0x48: {  	_ =	shalt  }
0x49: {  	_ =	shalt  }
0x4a: {  	_ =	shalt  }
0x4b: {  	_ =	shalt  }
0x4c: {  	_ =	shalt  }
0x4d: {  	_ =	shalt  }
0x4e: {  	_ =	shalt  }
0x4f: {  	_ =	shalt  }
0x50: {  	_ =	shalt  }
0x51: {  	_ =	shalt  }
0x52: {  	_ =	shalt  }
0x53: {  	_ =	shalt  }
0x54: {  	_ =	shalt  }
0x55: {  	_ =	shalt  }
0x56: {  	_ =	shalt  }
0x57: {  	_ =	shalt  }
0x58: {  	_ =	shalt  }
0x59: {  	_ =	shalt  }
0x5a: {  	_ =	shalt  }
0x5b: {  	_ =	shalt  }
0x5c: {  	_ =	shalt  }
0x5d: {  	_ =	shalt  }
0x5e: {  	_ =	shalt  }
0x5f: {  	_ =	shalt  }
0x60: {  	_ =	shalt  }
0x61: {  	_ =	shalt  }
0x62: {  	_ =	shalt  }
0x63: {  	_ =	shalt  }
0x64: {  	_ =	shalt  }
0x65: {  	_ =	shalt  }
0x66: {  	_ =	shalt  }
0x67: {  	_ =	shalt  }
0x68: {  	_ =	shalt  }
0x69: {  	_ =	shalt  }
0x6a: {  	_ =	shalt  }
0x6b: {  	_ =	shalt  }
0x6c: {  	_ =	shalt  }
0x6d: {  	_ =	shalt  }
0x6e: {  	_ =	shalt  }
0x6f: {  	_ =	shalt  }
0x70: {  	_ =	shalt  }
0x71: {  	_ =	shalt  }
0x72: {  	_ =	shalt  }
0x73: {  	_ =	shalt  }
0x74: {  	_ =	shalt  }
0x75: {  	_ =	shalt  }
0x76: {  	_ =	shalt  }
0x77: {  	_ =	shalt  }
0x78: {  	_ =	shalt  }
0x79: {  	_ =	shalt  }
0x7a: {  	_ =	shalt  }
0x7b: {  	_ =	shalt  }
0x7c: {  	_ =	shalt  }
0x7d: {  	_ =	shalt  }
0x7e: {  	_ =	shalt  }
0x7f: {  	_ =	shalt  }
0x80: {  	_ =	shalt  }
0x81: {  	_ =	shalt  }
0x82: {  	_ =	shalt  }
0x83: {  	_ =	shalt  }
0x84: {  	_ =	shalt  }
0x85: {  	_ =	shalt  }
0x86: {  	_ =	shalt  }
0x87: {  	_ =	shalt  }
.Lfunc_end0:
.L_simem_size_0:
called_computation_lowered:
.L_overlay_start_0:
0x88: {  	s2 =	sld [smem:$0x3FD9]  }
0x89: {  	s3 =	sld [smem:$0x3FFE];
	_ =	sdelay $0x1  }
0x8a: {  	s1 =	srdreg.scid  }
0x8b: {  	s0 =	sand.u32 $0x1, s1  }
0x8c: {  	s17 =	sshll.u32 s0, $0xA;
	s2 =	sadd.s32 s3, s2  }
0x8d: {  	s2 =	sadd.s32 s2, s17  }
0x8e: {  	[smem:$0x3FBB] =	sst s2  }
0x8f: {  	_ = 	snop  }
0x90: {  	s2 =	sld [smem:$0x3FC8]  }
0x91: {  	s18 =	sld [smem:$0x3FD0];
	(tm) =	ssettm $0x1  }
0x92: {  	s4 =	sld [smem:$0x3FFB];
	_ =	sdelay $0x3  }
0x93: {  	_ =	strace s4  }
0x94: {  	s4 =	sld [smem:$0x3FFC];
	_ =	sdelay $0x3  }
0x95: {  	_ =	strace s4  }
0x96: {  	s4 =	sld [smem:$0x3FFD];
	_ =	sdelay $0x3  }
0x97: {  	_ =	strace s4  }
0x98: {  	_ =	strace $0x8FFFFFFF  }
0x99: {  	s19 =	sld [smem:$0x3FDB];
	_ =	sdelay $0x1  }
0x9a: {  	s5 =	simm.s32 $_scs_section_size  }
0x9b: {  	s6 =	simm.s32 $_size__tile_overlayer_lowered;
	s7 =	simm.s32 $_tile_overlayer_lowered  }
0x9c: {  	s22 =	simm.s32 $0x1BFF;
	s21 =	sshll.u32 s7, $0x1;
	s4 =	sadd.s32 s5, s19  }
0x9d: {  	s8 =	simm.s32 $0x0;
	s20 =	sshll.u32 s6, $0x1;
	s6 =	sadd.s32 s21, s4  }
0x9e: {  	[timem:s8], [sflag:s22] =	dma.local [hbm:s6], s20  }
0x9f: {  	_ =	swait.ge [sflag:s22], s20  }
0xa0: {  	s5 =	ssub.s32 $0x0, s20;
	[sflag:s22] =	ssyncset.done $0x0  }
0xa1: {  	[sflag:s22] =	ssyncadd.s32 s5;
	_ =	sdelay $0x1  }
0xa2: {  	s23 =	simm.s32 $0x1B8B  }
0xa3: {  	_ =	swait.ge [sflag:s23], $0x1  }
0xa4: {  	[sflag:s23] =	ssyncset.done $0x0  }
0xa5: {  	s25 =	simm.s32 $0x1B8E;
	s24 =	sld [smem:$0x3FFE];
	[sflag:s23] =	ssyncadd.s32 $0xFFFFFFFF  }
0xa6: {  	s26 =	simm.s32 $execute0_lowered;
	[smem:$0x3FD2] =	sst s25  }
0xa7: {  	s6 =	sshll.u32 s26, $0x1;
	_ =	strace $0x80000046;
	[dreg:$0x1] =	wrdreg $0xFFFFFFFF  }
0xa8: {  	s28 =	simm.s32 $_size_execute0_lowered;
	s4 =	sadd.s32 s4, s6;
	[dreg:$0x0] =	wrdreg $0x0  }
0xa9: {  	s6 =	sshll.u32 s28, $0x1;
	[dreg:$0x2] =	wrdreg s4  }
0xaa: {  	[dreg:$0x3] =	wrdreg s6  }
0xab: {  	[dreg:$0x4] =	wrdreg $0xC0  }
0xac: {  	_ =	task [dreg:s8], $0x5FFFF  }
0xad: {  	[dreg:$0x1] =	wrdreg $0xFFFFFFFF  }
0xae: {  	[dreg:$0x0] =	wrdreg $0x60  }
0xaf: {  	[dreg:$0x2] =	wrdreg s2  }
0xb0: {  	[dreg:$0x3] =	wrdreg s24  }
0xb1: {  	[dreg:$0x4] =	wrdreg s18  }
0xb2: {  	[dreg:$0x5] =	wrdreg $0x88800  }
0xb3: {  	[dreg:$0x6] =	wrdreg $0x83800  }
0xb4: {  	[dreg:$0x7] =	wrdreg $0x86000  }
0xb5: {  	[dreg:$0x8] =	wrdreg $0x9  }
0xb6: {  	_ =	task.clear_ibuf [dreg:s8], $0x9FFFF;
	_ =	strace $0x90000046  }
0xb7: {  	s29 =	simm.s32 $0x9;
	_ =	strace $0x80000048  }
0xb8: {  	_ =	swait.ge [sflag:s29], $0x1  }
0xb9: {  	[sflag:s29] =	ssyncadd.s32 $0xFFFFFFFF  }
0xba: {  	_ =	strace $0x90000048  }
0xbb: {  	_ =	sfence  }
0xbc: {  	s30 =	sld [smem:$0x0];
	_ =	sdelay $0x2  }
0xbd: {  	s31 =	sshll.u32 s1, $0xD;
	s1 =	sshrl.u32 s1, $0x2  }
0xbe: {  	s3 =	sand.u32 $0x4000, s31;
	s1 =	sadd.s32 s1, s30  }
0xbf: {  	s0 =	sor.u32 s3, s0;
	s1 =	sshll.u32 s1, $0x11  }
0xc0: {  	s0 =	sor.u32 s1, s0  }
0xc1: {  	s0 =	sadd.s32 $0x8F2B, s0  }
0xc2: {  	[sflag:s0] =	ssyncadd.remote.s32 $0x1  }
0xc3: {  	_ =	sfence.sel $0xFFFF  }
0xc4: {  	[dreg:$0x0] =	wrdreg $0xFFFFFFFF;
	(pc) =	sbr.abs _section_cstart, $3  }
0xc5: {  	[dreg:$0x1] =	wrdreg $0xFFFFFFFF  }
0xc6: {  	_ =	task.clear_ibuf [dreg:s8], $0x2FFFF;
	_ =	strace $0x9FFFFFFF  }
0xc7: {  	(tm) =	ssettm $0x7FFFFFFF  }
tec
execute0_lowered:
.L_overlay_start_1:
0x0: {  	(tag) =	ssettag $0x1  }
0x1: {  	s1 =	rddreg [dreg:$0x0]  }
0x2: {  	s0 =	rddreg [dreg:$0x1]  }
0x3: {  	s5 =	rddreg [dreg:$0x2]  }
0x4: {  	s2 =	rddreg [dreg:$0x3]  }
0x5: {  	s3 =	rddreg [dreg:$0x4]  }
0x6: {  	s4 =	rddreg [dreg:$0x5];
	s6 =	simm.s32 $0x0;
	s7 =	srdreg.scid  }
0x7: {  	s17 =	stileid.u32;
	s28 =	simm.s32 $0x8300;
	s29 =	simm.s32 $0x9  }
0x8: {  	s30 =	simm.s32 $0x80;
	s31 =	simm.s32 $0x100;
	[smem:$0x7FF] =	sst s6  }
0x9: {  	s7 =	sand.u32 $0x1, s7;
	s8 =	smul.u32 $0x500, s17;
	s9 =	sadd.s32 $0xC200, s0  }
0xa: {  	s12 =	sadd.s32 $0x16000, s0;
	s13 =	smul.u32 $0x14000, s17;
	s16 =	sadd.s32 $0x20200, s0  }
0xb: {  	s18 =	sadd.s32 $0x20000, s0;
	_ =	strace $0x80000047;
	[dreg:$0x7] =	wrdreg s16  }
0xc: {  	s19 =	sadd.s32 $0x1FE00, s0;
	s14 =	smul.u32 $0x50000, s17;
	[dreg:$0x8] =	wrdreg s18  }
0xd: {  	s10 =	sshll.u32 s7, $0x7;
	s11 =	smul.u32 $0x140000, s7;
	[dreg:$0x9] =	wrdreg s19  }
0xe: {  	s20 =	ssub.s32 $0x2, s7;
	s15 =	sshll.u32 s7, $0x4;
	s7 =	sshll.u32 s7, $0x8  }
0xf: {  	s10 =	sor.u32 s10, s8;
	s21 =	sshrl.u32 s20, $0x1;
	s14 =	sshrl.u32 s14, $0x2  }
0x10: {  	s10 =	sshrl.u32 s10, $0x3;
	s11 =	sadd.s32 s13, s11;
	s13 =	sor.u32 s17, s15  }
0x11: {  	s15 =	smul.u32 $0x280, s17;
	s22 =	sadd.s32 s14, s2;
	s10 =	sadd.s32 s10, s0  }
0x12: {  	s11 =	sshrl.u32 s11, $0x3;
	[dreg:$0xa] =	wrdreg s22;
	s23 =	sshll.u32 s13, $0x4  }
0x13: {  	s0 =	sadd.s32 s11, s0;
	s11 =	ssub.s32 s20, s21;
	s24 =	sadd.s32 s9, s23  }
0x14: {  	s25 =	sadd.s32 s12, s23;
	s16 =	sor.u32 $0x200, s23;
	[dreg:$0xb] =	wrdreg s24  }
0x15: {  	s26 =	sadd.s32 s5, s23;
	s20 =	sshll.u32 s17, $0x4;
	[dreg:$0xc] =	wrdreg s25  }
0x16: {  	s21 =	sadd.s32 s15, s3;
	s22 =	sadd.s32 s15, s4;
	[dreg:$0xd] =	wrdreg s26  }
0x17: {  	s23 =	sadd.s32 $0x22A00, s10;
	s14 =	sadd.s32 s9, s16;
	[dreg:$0x11] =	wrdreg s21  }
0x18: {  	s18 =	sadd.s32 s12, s16;
	s19 =	sadd.s32 s5, s16;
	[dreg:$0x12] =	wrdreg s22  }
0x19: {  	s5 =	sadd.s32 s7, s5;
	s12 =	sadd.s32 s7, s12;
	[dreg:$0x13] =	wrdreg s23  }
0x1a: {  	s7 =	sadd.s32 s7, s9;
	s24 =	sadd.s32 $0x23400, s10;
	[dreg:$0xe] =	wrdreg s14  }
0x1b: {  	s0 =	sadd.s32 $0x23E00, s0;
	s25 =	smax.u32 s11, $0x1;
	[dreg:$0xf] =	wrdreg s18  }
0x1c: {  	s26 =	sor.u32 $0x60, s13;
	s9 =	simm.s32 $0x5;
	[dreg:$0x10] =	wrdreg s19  }
.Ltmp0:
0x1d: {  	s10 =	simm.s32 $0x4300;
	[dreg:$0x14] =	wrdreg s24;
	(pc) =	sbr.rel .LBB2_1-.Ltmp0, $4  }
0x1e: {  	s11 =	simm.s32 $0x1;
	s13 =	simm.s32 $0x7;
	[dreg:$0x15] =	wrdreg s0  }
0x1f: {  	s16 =	simm.s32 $0x0;
	s17 =	sadd.s32 s20, s5;
	[dreg:$0x16] =	wrdreg s25  }
0x20: {  	s18 =	sadd.s32 s20, s12;
	s19 =	sadd.s32 s20, s7;
	[dreg:$0x17] =	wrdreg s26  }
0x21: {  	s5 =	simm.s32 $0x200;
	s7 =	simm.s32 $0x300;
	s12 =	simm.s32 $0x3  }
.LBB2_7:
0x22: {  	[bflag:$0x0] =	sbarrier.arrive $0xFFFF  }
0x23: {  	s8 =	simm.s32 $0x20;
	s14 =	simm.s32 $0x10;
	s0 =	rddreg [dreg:$0x13]  }
0x24: {  	[hbm:s0@s8], [sflag:s20] =	dma.strided [spmem:s22@s14], $0x50, s11, $0x10   }
0x25: {  	_ =	swait.ge [sflag:s29], $0x50  }
0x26: {  	[sflag:s29] =	ssyncset.done $0x0  }
0x27: {  	s24 =	rddreg [dreg:$0x14];
	[sflag:s29] =	ssyncadd.s32 $0xFFFFFFB0  }
0x28: {  	[hbm:s24@s8], [sflag:s20] =	dma.strided [spmem:s23@s14], $0x50, s11, $0x10   }
0x29: {  	_ =	swait.ge [sflag:s29], $0x50  }
0x2a: {  	[sflag:s29] =	ssyncset.done $0x0  }
0x2b: {  	s25 =	rddreg [dreg:$0x15];
	[sflag:s29] =	ssyncadd.s32 $0xFFFFFFB0  }
0x2c: {  	[hbm:s25], [sflag:s20] =	dma.local [spmem:s21], $0x2800  }
0x2d: {  	_ =	swait.ge [sflag:s29], $0x2800  }
0x2e: {  	s16 =	sadd.s32 $0x1, s16;
	s26 =	rddreg [dreg:$0x16]  }
0x2f: {  	p0 =	sne.s32 s16, s26  }
.Ltmp1:
0x30: {  	_ = 	snop;
	(pc) =	sbr.rel @!p0 .LBB2_8-.Ltmp1, $3  }
0x31: {  	_ =	sdelay $0x1  }
0x32: {  	[sflag:s29] =	ssyncset.done $0x0  }
0x33: {  	[sflag:s29] =	ssyncadd.s32 $0xFFFFD800  }
.LBB2_1:
0x34: {  	s0 =	rddreg [dreg:$0x9];
	s25 =	stileid.u32  }
0x35: {  	[tilespmem:s28], [sflag:$0x9] =	stream.linear.gather [hbm4b:s0+s6], $0x80, $0x38;
	[tilespmem:$0x1C880] =	vst v63  }
0x36: {  	s20 =	sshll.u32 s25, $0x6;
	_ =	swait.ge [sflag:s29], $0x80  }
0x37: {  	s20 =	sor.u32 $0x1C09, s20;
	[sflag:s29] =	ssyncset.done $0x0;
	s26 =	rddreg [dreg:$0xa]  }
0x38: {  	s8 =	rddreg [dreg:$0x7];
	[sflag:s29] =	ssyncadd.s32 $0xFFFFFF80;
	s21 =	sshrl.u32 s26, $0x3  }
0x39: {  	[spmem:s21], [sflag:s20] =	dma.local [hbm:s8], $0x2800  }
0x3a: {  	_ =	swait.ge [sflag:s29], $0x2800  }
0x3b: {  	[sflag:s29] =	ssyncset.done $0x0;
	s14 =	rddreg [dreg:$0x11]  }
0x3c: {  	s15 =	rddreg [dreg:$0x8];
	[sflag:s29] =	ssyncadd.s32 $0xFFFFD800;
	s22 =	sshrl.u32 s14, $0x3  }
0x3d: {  	[spmem:s22], [sflag:s20] =	dma.local [hbm:s15], $0x50  }
0x3e: {  	_ =	swait.ge [sflag:s29], $0x50  }
0x3f: {  	[sflag:s29] =	ssyncset.done $0x0;
	s8 =	rddreg [dreg:$0x12]  }
0x40: {  	[sflag:s29] =	ssyncadd.s32 $0xFFFFFFB0;
	s23 =	sshrl.u32 s8, $0x3  }
0x41: {  	[spmem:s23], [sflag:s20] =	dma.local [hbm:s15], $0x50  }
0x42: {  	_ =	swait.ge [sflag:s29], $0x50  }
0x43: {  	[sflag:s29] =	ssyncset.done $0x0  }
0x44: {  	[sflag:s29] =	ssyncadd.s32 $0xFFFFFFB0  }
0x45: {  	[bflag:$0x0] =	sbarrier.arrive $0xFFFF  }
0x46: {  	s24 =	rddreg [dreg:$0xb]  }
0x47: {  	[tilespmem:s6], [sflag:$0x1] =	stream.linear.gather [hbm4b:s24+s6], $0x80, $0x38;
	[tilespmem:$0x1C880] =	vst v63  }
0x48: {  	s25 =	rddreg [dreg:$0xc]  }
0x49: {  	[tilespmem:s30], [sflag:$0x2] =	stream.linear.gather [hbm4b:s25+s6], $0x80, $0x38;
	[tilespmem:$0x1C880] =	vst v63  }
0x4a: {  	s26 =	rddreg [dreg:$0xd]  }
0x4b: {  	[tilespmem:s31], [sflag:$0x3] =	stream.linear.gather [hbm4b:s26+s6], $0x80, $0x38;
	[tilespmem:$0x1C880] =	vst v63  }
0x4c: {  	s14 =	simm.s32 $0x180;
	s8 =	rddreg [dreg:$0xe]  }
0x4d: {  	[tilespmem:s14], [sflag:$0x4] =	stream.linear.gather [hbm4b:s8+s6], $0x80, $0x38;
	[tilespmem:$0x1C880] =	vst v63  }
0x4e: {  	s15 =	rddreg [dreg:$0xf]  }
0x4f: {  	[tilespmem:s5], [sflag:$0x5] =	stream.linear.gather [hbm4b:s15+s6], $0x80, $0x38;
	[tilespmem:$0x1C880] =	vst v63  }
0x50: {  	s24 =	rddreg [dreg:$0x10];
	s25 =	simm.s32 $0x280  }
0x51: {  	[tilespmem:s25], [sflag:$0x6] =	stream.linear.gather [hbm4b:s24+s6], $0x80, $0x38;
	[tilespmem:$0x1C880] =	vst v63  }
.Ltmp2:
0x52: {  	s26 =	simm.s32 $0x2;
	(pc) =	sbr.rel .LBB2_2-.Ltmp2, $4  }
0x53: {  	_ =	swait.ge [sflag:s26], $0x80  }
0x54: {  	[sflag:s26] =	ssyncset.done $0x0  }
0x55: {  	s25 =	simm.s32 $0x0;
	[sflag:s26] =	ssyncadd.s32 $0xFFFFFF80;
	s26 =	rddreg [dreg:$0x17]  }
0x56: {  	[tilespmem:s7], [sflag:$0x7] =	stream.indirect.gather [hbm4b:s1+s30], $0x80, s30, s30, $0xb8;
	[tilespmem:$0x1C880] =	vst v63  }
.LBB2_3:
0x57: {  	_ =	swait.ge [sflag:s9], $0x80  }
0x58: {  	[sflag:s9] =	ssyncset.done $0x0  }
0x59: {  	[sflag:s9] =	ssyncadd.s32 $0xFFFFFF80  }
0x5a: {  	[tilespmem:s10], [sflag:$0x8] =	stream.indirect.gather [hbm4b:s1+s30], $0x80, s5, s30, $0xb8;
	[tilespmem:$0x1C880] =	vst v63  }
.LBB2_5:
0x5b: {  	_ =	swait.ge [sflag:s11], $0x80  }
0x5c: {  	[sflag:s11] =	ssyncset.done $0x0  }
0x5d: {  	[sflag:s11] =	ssyncadd.s32 $0xFFFFFF80  }
0x5e: {  	[spmem:s3] =	stream.indirect.scatter.add.f32 [tilespmem:s28], [sflag:$0x9], $0x1, s6, s30, $0xb8;
	[tilespmem:$0x1C880] =	vst v63  }
0x5f: {  	_ =	swait.ge [sflag:s29], $0x80  }
0x60: {  	[sflag:s29] =	ssyncset.done $0x0  }
0x61: {  	[sflag:s29] =	ssyncadd.s32 $0xFFFFFF80  }
0x62: {  	_ =	swait.ge [sflag:s12], $0x80  }
0x63: {  	[sflag:s12] =	ssyncset.done $0x0  }
0x64: {  	[sflag:s12] =	ssyncadd.s32 $0xFFFFFF80  }
0x65: {  	_ =	swait.ge [sflag:s13], $0x4000  }
0x66: {  	[sflag:s13] =	ssyncset.done $0x0  }
0x67: {  	[sflag:s13] =	ssyncadd.s32 $0xFFFFC000  }
0x68: {  	[spmem:s2] =	stream.indirect.scatter.add.f32 [tilespmem:s7], [sflag:$0x9], $0x80, s31, s30, $0xb8;
	[tilespmem:$0x1C880] =	vst v63  }
0x69: {  	_ =	swait.ge [sflag:s29], $0x4000  }
0x6a: {  	[sflag:s29] =	ssyncset.done $0x0  }
0x6b: {  	[sflag:s29] =	ssyncadd.s32 $0xFFFFC000  }
0x6c: {  	[spmem:s4] =	stream.indirect.scatter.add.f32 [tilespmem:s28], [sflag:$0x9], $0x1, s31, s30, $0xb8;
	[tilespmem:$0x1C880] =	vst v63  }
0x6d: {  	_ =	swait.ge [sflag:s29], $0x80  }
0x6e: {  	[sflag:s29] =	ssyncset.done $0x0  }
0x6f: {  	[sflag:s29] =	ssyncadd.s32 $0xFFFFFF80  }
.LBB2_6:
0x70: {  	s24 =	sadd.s32 $0xFFFFFFE0, s26  }
0x71: {  	p1 =	sgt.u32 s24, $0x9C3  }
0x72: {  	s24 =	sadd.s32 @!p1 s25, s19  }
0x73: {  	s14 =	simm.s32 @!p1 $0x0;
	s24 =	sadd.s32 @!p1 $0x400, s24  }
0x74: {  	[tilespmem:s14], [sflag:$0x1] =	stream.linear.gather @!p1 [hbm4b:s24+s14], $0x80, $0x38;
	[tilespmem:$0x1C880] =	vst v63  }
0x75: {  	s24 =	sadd.s32 @!p1 s25, s18  }
0x76: {  	s15 =	simm.s32 @!p1 $0x80;
	s24 =	sadd.s32 @!p1 $0x400, s24  }
0x77: {  	[tilespmem:s15], [sflag:$0x2] =	stream.linear.gather @!p1 [hbm4b:s24+s14], $0x80, $0x38;
	[tilespmem:$0x1C880] =	vst v63  }
0x78: {  	s24 =	sadd.s32 @!p1 s25, s17  }
0x79: {  	s0 =	simm.s32 @!p1 $0x100;
	s24 =	sadd.s32 @!p1 $0x400, s24  }
0x7a: {  	[tilespmem:s0], [sflag:$0x3] =	stream.linear.gather @!p1 [hbm4b:s24+s14], $0x80, $0x38;
	[tilespmem:$0x1C880] =	vst v63  }
0x7b: {  	s0 =	simm.s32 @!p1 $0x2  }
0x7c: {  	_ =	swait.ge @!p1 [sflag:s0], $0x80  }
0x7d: {  	[sflag:s0] =	ssyncset.done @!p1 $0x0  }
0x7e: {  	[sflag:s0] =	ssyncadd.s32 @!p1 $0xFFFFFF80;
	s0 =	simm.s32 @!p1 $0x300  }
0x7f: {  	[tilespmem:s0], [sflag:$0x7] =	stream.indirect.gather @!p1 [hbm4b:s1+s15], $0x80, s15, s15, $0xb8;
	[tilespmem:$0x1C880] =	vst v63  }
0x80: {  	s0 =	simm.s32 @!p0 $0x4  }
0x81: {  	_ =	swait.ge @!p0 [sflag:s0], $0x80  }
0x82: {  	s14 =	simm.s32 @!p0 $0x180;
	[sflag:s0] =	ssyncset.done @!p0 $0x0  }
0x83: {  	s15 =	simm.s32 @!p0 $0x8300;
	[sflag:s0] =	ssyncadd.s32 @!p0 $0xFFFFFF80;
	s0 =	simm.s32 @!p0 $0x80  }
0x84: {  	[spmem:s3] =	stream.indirect.scatter.add.f32 @!p0 [tilespmem:s15], [sflag:$0x9], $0x1, s14, s0, $0xb8;
	[tilespmem:$0x1C880] =	vst v63  }
0x85: {  	s14 =	simm.s32 @!p0 $0x9  }
0x86: {  	_ =	swait.ge @!p0 [sflag:s14], $0x80  }
0x87: {  	[sflag:s14] =	ssyncset.done @!p0 $0x0  }
0x88: {  	s24 =	simm.s32 @!p0 $0x6;
	[sflag:s14] =	ssyncadd.s32 @!p0 $0xFFFFFF80  }
0x89: {  	_ =	swait.ge @!p0 [sflag:s24], $0x80  }
0x8a: {  	[sflag:s24] =	ssyncset.done @!p0 $0x0  }
0x8b: {  	[sflag:s24] =	ssyncadd.s32 @!p0 $0xFFFFFF80;
	s24 =	simm.s32 @!p0 $0x8  }
0x8c: {  	_ =	swait.ge @!p0 [sflag:s24], $0x4000  }
0x8d: {  	[sflag:s24] =	ssyncset.done @!p0 $0x0  }
0x8e: {  	s8 =	simm.s32 @!p0 $0x4300;
	[sflag:s24] =	ssyncadd.s32 @!p0 $0xFFFFC000;
	s24 =	simm.s32 @!p0 $0x280  }
0x8f: {  	[spmem:s2] =	stream.indirect.scatter.add.f32 @!p0 [tilespmem:s8], [sflag:$0x9], $0x80, s24, s0, $0xb8;
	[tilespmem:$0x1C880] =	vst v63  }
0x90: {  	_ =	swait.ge @!p0 [sflag:s14], $0x4000  }
0x91: {  	[sflag:s14] =	ssyncset.done @!p0 $0x0  }
0x92: {  	[sflag:s14] =	ssyncadd.s32 @!p0 $0xFFFFC000  }
0x93: {  	[spmem:s4] =	stream.indirect.scatter.add.f32 @!p0 [tilespmem:s15], [sflag:$0x9], $0x1, s24, s0, $0xb8;
	[tilespmem:$0x1C880] =	vst v63  }
0x94: {  	p1 =	sgt.u32 s26, $0x9C3;
	_ =	swait.ge @!p0 [sflag:s14], $0x80  }
0x95: {  	s8 =	simm.s32 @!p1 $0x0;
	s0 =	sadd.s32 @!p1 s25, s19;
	[sflag:s14] =	ssyncset.done @!p0 $0x0  }
0x96: {  	s0 =	sadd.s32 @!p1 $0x600, s0;
	[sflag:s14] =	ssyncadd.s32 @!p0 $0xFFFFFF80;
	s14 =	simm.s32 @!p1 $0x180  }
0x97: {  	[tilespmem:s14], [sflag:$0x4] =	stream.linear.gather @!p1 [hbm4b:s0+s8], $0x80, $0x38;
	[tilespmem:$0x1C880] =	vst v63  }
0x98: {  	s0 =	sadd.s32 @!p1 s25, s18  }
0x99: {  	s14 =	simm.s32 @!p1 $0x200;
	s0 =	sadd.s32 @!p1 $0x600, s0  }
0x9a: {  	[tilespmem:s14], [sflag:$0x5] =	stream.linear.gather @!p1 [hbm4b:s0+s8], $0x80, $0x38;
	[tilespmem:$0x1C880] =	vst v63  }
0x9b: {  	s0 =	sadd.s32 @!p1 s25, s17;
	s25 =	sadd.s32 $0x400, s25  }
0x9c: {  	p0 =	sne.s32 s25, $0xA000  }
.Ltmp3:
0x9d: {  	_ = 	snop;
	(pc) =	sbr.rel @!p0 .LBB2_7-.Ltmp3, $3  }
0x9e: {  	_ =	sdelay $0x1  }
0x9f: {  	s26 =	sadd.s32 $0x40, s26;
	s14 =	simm.s32 @!p1 $0x280;
	s0 =	sadd.s32 @!p1 $0x600, s0  }
0xa0: {  	[tilespmem:s14], [sflag:$0x6] =	stream.linear.gather @!p1 [hbm4b:s0+s8], $0x80, $0x38;
	[tilespmem:$0x1C880] =	vst v63  }
.LBB2_2:
0xa1: {  	s24 =	sadd.s32 $0xFFFFFFA0, s26  }
0xa2: {  	p0 =	sgt.u32 s24, $0x9A3  }
.Ltmp4:
0xa3: {  	_ = 	snop;
	(pc) =	sbr.rel @!p0 .LBB2_3-.Ltmp4, $1  }
0xa4: {  	_ =	sdelay $0x3  }
0xa5: {  	p1 =	sgt.u32 s24, $0x9C3  }
.Ltmp5:
0xa6: {  	_ = 	snop;
	(pc) =	sbr.rel @p1 .LBB2_6-.Ltmp5, $4  }
.Ltmp6:
0xa7: {  	_ = 	snop;
	(pc) =	sbr.rel @!p1 .LBB2_5-.Ltmp6, $4  }
0xa8: {  	_ = 	snop  }
0xa9: {  	_ = 	snop  }
0xaa: {  	_ = 	snop  }
0xab: {  	_ = 	snop  }
.LBB2_8:
0xac: {  	_ =	sfence.sel $0x180000  }
0xad: {  	[bflag:$0x0] =	sbarrier.arrive $0xFFFF  }
0xae: {  	_ =	strace $0x90000047  }
0xaf: {  	s0 =	stileid.u32;
	[bflag:$0x2] =	sbarrier.arrive $0xFFFF  }
0xb0: {  	p0 =	sne.s32 s0, $0x0;
	s0 =	rddreg [dreg:$0x6]  }
0xb1: {  	s0 =	sadd.s32 @!p0 $0x100000, s0  }
0xb2: {  	[sflag:s0] =	ssyncadd.tile.s32 @!p0 $0x1;
	_ =	shalt  }
.Lfunc_end2:
_tile_overlayer_lowered:
.L_overlay_start_2:
0xb3: {  	(tag) =	ssettag $0x2  }
0xb4: {  	s0 =	rddreg [dreg:$0x0];
	s2 =	stileid.u32  }
0xb5: {  	s1 =	rddreg [dreg:$0x1];
	p0 =	sne.s32 s2, $0x0  }
0xb6: {  	s3 =	rddreg [dreg:$0x2];
	[bflag:$0x3] =	sbarrier.arrive $0xFFFF;
	s2 =	simm.s32 @!p0 $0x1C09  }
0xb7: {  	[timem:s3], [sflag:s2] =	dma.local @!p0 [hbm:s0], s1  }
0xb8: {  	s0 =	simm.s32 @!p0 $0x9  }
0xb9: {  	_ =	swait.ge @!p0 [sflag:s0], s1  }
0xba: {  	s1 =	ssub.s32 @!p0 $0x0, s1;
	[sflag:s0] =	ssyncset.done @!p0 $0x0  }
0xbb: {  	[sflag:s0] =	ssyncadd.s32 @!p0 s1  }
0xbc: {  	[bflag:$0x3] =	sbarrier.arrive $0xFFFF  }
0xbd: {  	_ =	shalt  }

</sc_bundles>
